<compile_context>
chip_gen: v7x
topology: tpu7x:2x2x1
jax: 0.10.2.dev20260603
libtpu: 0.0.44.dev20260713+nightly
codegen_flags: <defaults>
</compile_context>

<pallas_src>
import functools

import jax
import jax.numpy as jnp
from jax import lax
from jax.experimental import pallas as pl
from jax.experimental.pallas import tpu as pltpu
from jax.experimental.pallas import tpu_sc as plsc

N = 10000
E = 320000
D_IN = 128
D_HID = 128
D_OUT = 64

NC = 2
NS = 16
NW = NC * NS
K = 128
C = 80
E_PAD = NW * C * K
C2 = E_PAD // (NS * K)
N_PAD = 10240
ZR = 64
DA = 128
SHARD = 5056
BLK_SH = SHARD // ZR
ACC_R = SHARD + 16

R_BLK = 1024
G = N_PAD // R_BLK


def _mesh():
    return plsc.VectorSubcoreMesh(core_axis_name="c", subcore_axis_name="s")


_SC_PARAMS = pltpu.CompilerParams(needs_layout_passes=False)


def _sc_degree(dst_p, e0):

    @functools.partial(
        pl.kernel,
        out_type=jax.ShapeDtypeStruct((N_PAD, DA), jnp.float32),
        mesh=_mesh(),
        compiler_params=_SC_PARAMS,
        scratch_types=[
            pltpu.VMEM((C2, K), jnp.int32),
            pltpu.VMEM((K,), jnp.int32),
            pltpu.VMEM((K, DA), jnp.float32),
            pltpu.VMEM((ZR, DA), jnp.float32),
            pltpu.VMEM((ZR, DA), jnp.float32),
            pltpu.VMEM_SHARED((ACC_R, DA), jnp.float32),
        ],
    )
    def k(dst_hbm, e0_hbm, out_hbm, idx_v, jbuf, e0_v, zb, ob, acc_sh):
        cid = lax.axis_index("c")
        sid = lax.axis_index("s")
        base = cid * SHARD
        pltpu.sync_copy(dst_hbm.at[cid, sid], idx_v)
        pltpu.sync_copy(e0_hbm, e0_v)

        z16 = jnp.zeros((16,), jnp.float32)

        @pl.loop(0, ZR)
        def _(r):
            @pl.loop(0, DA, step=16)
            def _(cc):
                zb[r, pl.ds(cc, 16)] = z16

        @pl.loop(0, 5)
        def _(r):
            b = r * NS + sid

            @pl.when(b < BLK_SH)
            def _():
                pltpu.sync_copy(zb, acc_sh.at[pl.ds(b * ZR, ZR)])

        plsc.subcore_barrier()

        @pl.loop(0, C2)
        def _(j):
            @pl.loop(0, K, step=16)
            def _(q):
                jbuf[pl.ds(q, 16)] = idx_v[j, pl.ds(q, 16)]

            pltpu.sync_copy(e0_v, acc_sh.at[jbuf], add=True)

        plsc.subcore_barrier()

        @pl.loop(0, 5)
        def _(r):
            b = r * NS + sid

            @pl.when(b < BLK_SH)
            def _():
                pltpu.sync_copy(acc_sh.at[pl.ds(b * ZR, ZR)], ob)
                pltpu.sync_copy(ob, out_hbm.at[pl.ds(base + b * ZR, ZR)])

    return k(dst_p, e0)


def _sc_aggregate(y, src_p, dst_p):

    @functools.partial(
        pl.kernel,
        out_type=jax.ShapeDtypeStruct((N_PAD, DA), jnp.float32),
        mesh=_mesh(),
        compiler_params=_SC_PARAMS,
        scratch_types=[
            pltpu.VMEM((C2, K), jnp.int32),
            pltpu.VMEM((C2, K), jnp.int32),
            pltpu.VMEM((K,), jnp.int32),
            pltpu.VMEM((K,), jnp.int32),
            pltpu.VMEM((K, DA), jnp.float32),
            pltpu.VMEM((K, DA), jnp.float32),
            pltpu.VMEM((ZR, DA), jnp.float32),
            pltpu.VMEM((ZR, DA), jnp.float32),
            pltpu.VMEM_SHARED((ACC_R, DA), jnp.float32),
            pltpu.SemaphoreType.DMA,
            pltpu.SemaphoreType.DMA,
            pltpu.SemaphoreType.DMA,
            pltpu.SemaphoreType.DMA,
        ],
    )
    def k(y_hbm, src_hbm, dst_hbm, out_hbm, src_v, dst_v, ja, jb,
          ra, rb, zb, ob, acc_sh, sga, sgb, ssa, ssb):
        cid = lax.axis_index("c")
        sid = lax.axis_index("s")
        base = cid * SHARD
        pltpu.sync_copy(src_hbm.at[sid], src_v)
        pltpu.sync_copy(dst_hbm.at[cid, sid], dst_v)

        z16 = jnp.zeros((16,), jnp.float32)

        @pl.loop(0, ZR)
        def _(r):
            @pl.loop(0, DA, step=16)
            def _(cc):
                zb[r, pl.ds(cc, 16)] = z16

        @pl.loop(0, 5)
        def _(r):
            b = r * NS + sid

            @pl.when(b < BLK_SH)
            def _():
                pltpu.sync_copy(zb, acc_sh.at[pl.ds(b * ZR, ZR)])

        plsc.subcore_barrier()

        pltpu.async_copy(y_hbm.at[src_v.at[0]], ra, sga)
        pltpu.async_copy(y_hbm.at[src_v.at[1]], rb, sgb)

        @pl.loop(0, C2, step=2)
        def _(j):
            pltpu.make_async_copy(y_hbm.at[pl.ds(0, K)], ra, sga).wait()

            @pl.loop(0, K, step=16)
            def _(q):
                ja[pl.ds(q, 16)] = dst_v[j, pl.ds(q, 16)]

            pltpu.async_copy(ra, acc_sh.at[ja], ssa, add=True)

            pltpu.make_async_copy(y_hbm.at[pl.ds(0, K)], rb, sgb).wait()

            @pl.loop(0, K, step=16)
            def _(q):
                jb[pl.ds(q, 16)] = dst_v[j + 1, pl.ds(q, 16)]

            pltpu.async_copy(rb, acc_sh.at[jb], ssb, add=True)

            @pl.when(j + 2 < C2)
            def _():
                pltpu.make_async_copy(y_hbm.at[pl.ds(0, K)], ra, ssa).wait()
                pltpu.async_copy(y_hbm.at[src_v.at[j + 2]], ra, sga)

            @pl.when(j + 3 < C2)
            def _():
                pltpu.make_async_copy(y_hbm.at[pl.ds(0, K)], rb, ssb).wait()
                pltpu.async_copy(y_hbm.at[src_v.at[j + 3]], rb, sgb)

        pltpu.make_async_copy(y_hbm.at[pl.ds(0, K)], ra, ssa).wait()
        pltpu.make_async_copy(y_hbm.at[pl.ds(0, K)], rb, ssb).wait()

        plsc.subcore_barrier()

        @pl.loop(0, 5)
        def _(r):
            b = r * NS + sid

            @pl.when(b < BLK_SH)
            def _():
                pltpu.sync_copy(acc_sh.at[pl.ds(b * ZR, ZR)], ob)
                pltpu.sync_copy(ob, out_hbm.at[pl.ds(base + b * ZR, ZR)])

    return k(y, src_p, dst_p)


def _tc_pre(deg, x_p, W1):

    def body(deg_r, x_r, w_r, y_r, dis_r):
        dis = lax.rsqrt(deg_r[...][:, 0] + 1.0)
        h = jnp.dot(x_r[...], w_r[...], preferred_element_type=jnp.float32)
        y_r[...] = h * dis[:, None]
        dis_r[...] = dis

    return pl.pallas_call(
        body,
        grid=(G,),
        in_specs=[
            pl.BlockSpec((R_BLK, DA), lambda i: (i, 0)),
            pl.BlockSpec((R_BLK, D_IN), lambda i: (i, 0)),
            pl.BlockSpec((D_IN, D_HID), lambda i: (0, 0)),
        ],
        out_specs=[
            pl.BlockSpec((R_BLK, D_HID), lambda i: (i, 0)),
            pl.BlockSpec((R_BLK,), lambda i: (i,)),
        ],
        out_shape=[
            jax.ShapeDtypeStruct((N_PAD, D_HID), jnp.float32),
            jax.ShapeDtypeStruct((N_PAD,), jnp.float32),
        ],
    )(deg, x_p, W1)


def _tc_mid(acc1, y1, dis, b1, W2):

    def body(a_r, y1_r, dis_r, b1_r, w2_r, hid_r, y2_r):
        ds = dis_r[...][:, None]
        s = (a_r[...] + y1_r[...]) * ds
        hfull = jnp.maximum(s + b1_r[...][None, :], 0.0)
        hid_r[...] = hfull
        m = jnp.dot(hfull, w2_r[...], preferred_element_type=jnp.float32)
        y2_r[...] = jnp.pad(m * ds, ((0, 0), (0, DA - D_OUT)))

    return pl.pallas_call(
        body,
        grid=(G,),
        in_specs=[
            pl.BlockSpec((R_BLK, DA), lambda i: (i, 0)),
            pl.BlockSpec((R_BLK, D_HID), lambda i: (i, 0)),
            pl.BlockSpec((R_BLK,), lambda i: (i,)),
            pl.BlockSpec((D_HID,), lambda i: (0,)),
            pl.BlockSpec((D_HID, D_OUT), lambda i: (0, 0)),
        ],
        out_specs=[
            pl.BlockSpec((R_BLK, D_HID), lambda i: (i, 0)),
            pl.BlockSpec((R_BLK, DA), lambda i: (i, 0)),
        ],
        out_shape=[
            jax.ShapeDtypeStruct((N_PAD, D_HID), jnp.float32),
            jax.ShapeDtypeStruct((N_PAD, DA), jnp.float32),
        ],
    )(acc1, y1, dis, b1, W2)


def _tc_post(acc2, y2, dis, b2):

    def body(a_r, y2_r, dis_r, b2_r, o_r):
        s = a_r[...] + y2_r[...]
        o_r[...] = s[:, :D_OUT] * dis_r[...][:, None] + b2_r[...][None, :]

    return pl.pallas_call(
        body,
        grid=(G,),
        in_specs=[
            pl.BlockSpec((R_BLK, DA), lambda i: (i, 0)),
            pl.BlockSpec((R_BLK, DA), lambda i: (i, 0)),
            pl.BlockSpec((R_BLK,), lambda i: (i,)),
            pl.BlockSpec((D_OUT,), lambda i: (0,)),
        ],
        out_specs=pl.BlockSpec((R_BLK, D_OUT), lambda i: (i, 0)),
        out_shape=jax.ShapeDtypeStruct((N_PAD, D_OUT), jnp.float32),
    )(acc2, y2, dis, b2)


def kernel(x, edge_index, W1, b1, W2, b2):
    src = edge_index[0].astype(jnp.int32)
    dst = edge_index[1].astype(jnp.int32)
    pad = jnp.full((E_PAD - E,), N, dtype=jnp.int32)
    src_f = jnp.concatenate([src, pad])
    dst_f = jnp.concatenate([dst, pad])
    src_a = src_f.reshape(NS, C2, K)
    rel = dst_f[None, :] - (jnp.arange(NC, dtype=jnp.int32) * SHARD)[:, None]
    dst_a = jnp.where(
        (rel >= 0) & (rel < SHARD), rel, SHARD
    ).astype(jnp.int32).reshape(NC, NS, C2, K)
    e0 = jnp.zeros((K, DA), jnp.float32).at[:, 0].set(1.0)
    x_p = jnp.zeros((N_PAD, D_IN), jnp.float32).at[:N].set(x)

    deg = _sc_degree(dst_a, e0)

    y1, dis = _tc_pre(deg, x_p, W1)

    acc1 = _sc_aggregate(y1, src_a, dst_a)

    hidden_p, y2 = _tc_mid(acc1, y1, dis, b1, W2)

    acc2 = _sc_aggregate(y2, src_a, dst_a)

    out_p = _tc_post(acc2, y2, dis, b2)

    return (out_p[:N], hidden_p[:N])

# --- scband reference (transcript-rebuilt; emitter-appended) ---
"""Pipeline reference for scband-gcn-15479062135311 (READ-ONLY COPY).

The authoritative reference and input builder live on the scoring server;
editing this copy changes nothing except your own understanding.
"""

import jax, jax.numpy as jnp
import numpy as np

N = 10000
E = 320000
D_IN = 128
D_HID = 128
D_OUT = 64


def setup_inputs(seed: int = 0) -> dict:
    key = jax.random.key(seed)
    k1, k2, k3, k4, k5, k6 = jax.random.split(key, 6)
    x = jax.random.normal(k1, (N, D_IN), dtype=jnp.float32)
    edge_index = jax.random.randint(k2, (2, E), 0, N, dtype=jnp.int32)
    W1 = jax.random.normal(k3, (D_IN, D_HID), dtype=jnp.float32) * (1.0 / np.sqrt(D_IN))
    b1 = jnp.zeros((D_HID,), dtype=jnp.float32)
    W2 = jax.random.normal(k4, (D_HID, D_OUT), dtype=jnp.float32) * (1.0 / np.sqrt(D_HID))
    b2 = jnp.zeros((D_OUT,), dtype=jnp.float32)
    return {"x": x, "edge_index": edge_index, "W1": W1, "b1": b1, "W2": W2, "b2": b2}


def _gcn_conv(x, edge_index, W, b):
    # PyG-style GCNConv: add self-loops, symmetric normalization, scatter-add aggregation
    src = edge_index[0]
    dst = edge_index[1]
    loop = jnp.arange(N, dtype=src.dtype)
    src = jnp.concatenate([src, loop])
    dst = jnp.concatenate([dst, loop])
    h = x @ W
    ones = jnp.ones(src.shape[0], dtype=h.dtype)
    deg = jax.ops.segment_sum(ones, dst, num_segments=N)
    deg_inv_sqrt = jnp.where(deg > 0, jax.lax.rsqrt(jnp.maximum(deg, 1e-12)), 0.0)
    norm = deg_inv_sqrt[src] * deg_inv_sqrt[dst]
    msgs = h[src] * norm[:, None]
    out = jax.ops.segment_sum(msgs, dst, num_segments=N)
    return out + b


def reference(x, edge_index, W1, b1, W2, b2):
    h1 = jax.nn.relu(_gcn_conv(x, edge_index, W1, b1))
    # dropout is identity at inference (training=False)
    hidden = h1
    out = _gcn_conv(h1, edge_index, W2, b2)
    return (out, hidden)

if __name__ == "__main__":
    import jax
    _d = setup_inputs()
    print(jax.jit(kernel)(*tuple(_d.values())))

</pallas_src>

<mosaic_0001>
#map = affine_map<(d0, d1) -> (0, 0)>
#map1 = affine_map<(d0, d1) -> (0, 0, 0)>
#map2 = affine_map<(d0, d1) -> (0, 0, 0, 0)>
module attributes {stable_mosaic.version = 14 : i64} {
  func.func @k(%arg0: i32, %arg1: i32, %arg2: memref<10240x128xf32, #tpu.memory_space<hbm>>, %arg3: memref<16x160x128xi32, #tpu.memory_space<hbm>>, %arg4: memref<2x16x160x128xi32, #tpu.memory_space<hbm>>, %arg5: memref<10240x128xf32, #tpu.memory_space<hbm>>, %arg6: memref<160x128xi32, #tpu.memory_space<vmem>>, %arg7: memref<160x128xi32, #tpu.memory_space<vmem>>, %arg8: memref<128xi32, #tpu.memory_space<vmem>>, %arg9: memref<128xi32, #tpu.memory_space<vmem>>, %arg10: memref<128x128xf32, #tpu.memory_space<vmem>>, %arg11: memref<128x128xf32, #tpu.memory_space<vmem>>, %arg12: memref<64x128xf32, #tpu.memory_space<vmem>>, %arg13: memref<64x128xf32, #tpu.memory_space<vmem>>, %arg14: memref<5072x128xf32, #tpu.memory_space<vmem_shared>>, %arg15: memref<!tpu.dma_semaphore, #tpu.memory_space<semaphore_mem>>, %arg16: memref<!tpu.dma_semaphore, #tpu.memory_space<semaphore_mem>>, %arg17: memref<!tpu.dma_semaphore, #tpu.memory_space<semaphore_mem>>, %arg18: memref<!tpu.dma_semaphore, #tpu.memory_space<semaphore_mem>>) attributes {dimension_semantics = [#tpu.dimension_semantics<core_parallel>, #tpu.dimension_semantics<subcore_parallel>], iteration_bounds = array<i64: 2, 16>, scalar_prefetch = 0 : i64, scratch_operands = 13 : i64, tpu.core_type = #tpu.core_type<sc_vector_subcore>, window_params = [{transform_indices = #map}, {transform_indices = #map1}, {transform_indices = #map2}, {transform_indices = #map}]} {
    %mul3A = arith.constant 5056 : i32
    %mul3A_0 = arith.muli %arg0, %mul3A : i32
    "tpu.region"() ({
      %run_scoped3A = tpu.sem_alloc : memref<!tpu.dma_semaphore, #tpu.memory_space<semaphore_mem>>
      %dma_start3A_46 = arith.constant 0 : i32
      %dma_start3A_47 = arith.constant 0 : i32
      %dma_start3A_48 = tpu.memref_slice %arg3[%arg1, %dma_start3A_46, %dma_start3A_47] : memref<16x160x128xi32, #tpu.memory_space<hbm>> -> memref<1x160x128xi32, #tpu.memory_space<hbm>>
      %dma_start3A_49 = tpu.memref_squeeze %dma_start3A_48 : memref<1x160x128xi32, #tpu.memory_space<hbm>> -> memref<160x128xi32, #tpu.memory_space<hbm>>
      %dma_start3A_50 = arith.constant 0 : i32
      %dma_start3A_51 = arith.constant 0 : i32
      %dma_start3A_52 = tpu.memref_slice %arg3[%arg1, %dma_start3A_50, %dma_start3A_51] : memref<16x160x128xi32, #tpu.memory_space<hbm>> -> memref<1x160x128xi32, #tpu.memory_space<hbm>>
      %dma_start3A_53 = tpu.memref_squeeze %dma_start3A_52 : memref<1x160x128xi32, #tpu.memory_space<hbm>> -> memref<160x128xi32, #tpu.memory_space<hbm>>
      tpu.enqueue_dma source(%dma_start3A_53 : memref<160x128xi32, #tpu.memory_space<hbm>>) target(%arg6 : memref<160x128xi32, #tpu.memory_space<vmem>>) target_semaphore(%run_scoped3A : memref<!tpu.dma_semaphore, #tpu.memory_space<semaphore_mem>>)
      %dma_wait3A_54 = arith.constant 0 : i32
      %dma_wait3A_55 = arith.constant 0 : i32
      %dma_wait3A_56 = tpu.memref_slice %arg3[%arg1, %dma_wait3A_54, %dma_wait3A_55] : memref<16x160x128xi32, #tpu.memory_space<hbm>> -> memref<1x160x128xi32, #tpu.memory_space<hbm>>
      %dma_wait3A_57 = tpu.memref_squeeze %dma_wait3A_56 : memref<1x160x128xi32, #tpu.memory_space<hbm>> -> memref<160x128xi32, #tpu.memory_space<hbm>>
      %dma_wait3A_58 = arith.constant 0 : i32
      %dma_wait3A_59 = arith.constant 0 : i32
      %dma_wait3A_60 = tpu.memref_slice %arg3[%arg1, %dma_wait3A_58, %dma_wait3A_59] : memref<16x160x128xi32, #tpu.memory_space<hbm>> -> memref<1x160x128xi32, #tpu.memory_space<hbm>>
      %dma_wait3A_61 = tpu.memref_squeeze %dma_wait3A_60 : memref<1x160x128xi32, #tpu.memory_space<hbm>> -> memref<160x128xi32, #tpu.memory_space<hbm>>
      tpu.wait_dma2 semaphore(%run_scoped3A : memref<!tpu.dma_semaphore, #tpu.memory_space<semaphore_mem>>) src(%dma_wait3A_61 : memref<160x128xi32, #tpu.memory_space<hbm>>) dst(%arg6 : memref<160x128xi32, #tpu.memory_space<vmem>>)
      tpu.yield
    }) : () -> ()
    "tpu.region"() ({
      %run_scoped3A = tpu.sem_alloc : memref<!tpu.dma_semaphore, #tpu.memory_space<semaphore_mem>>
      %dma_start3A_46 = arith.constant 0 : i32
      %dma_start3A_47 = arith.constant 0 : i32
      %dma_start3A_48 = tpu.memref_slice %arg4[%arg0, %arg1, %dma_start3A_46, %dma_start3A_47] : memref<2x16x160x128xi32, #tpu.memory_space<hbm>> -> memref<1x1x160x128xi32, #tpu.memory_space<hbm>>
      %dma_start3A_49 = tpu.memref_squeeze %dma_start3A_48 : memref<1x1x160x128xi32, #tpu.memory_space<hbm>> -> memref<160x128xi32, #tpu.memory_space<hbm>>
      %dma_start3A_50 = arith.constant 0 : i32
      %dma_start3A_51 = arith.constant 0 : i32
      %dma_start3A_52 = tpu.memref_slice %arg4[%arg0, %arg1, %dma_start3A_50, %dma_start3A_51] : memref<2x16x160x128xi32, #tpu.memory_space<hbm>> -> memref<1x1x160x128xi32, #tpu.memory_space<hbm>>
      %dma_start3A_53 = tpu.memref_squeeze %dma_start3A_52 : memref<1x1x160x128xi32, #tpu.memory_space<hbm>> -> memref<160x128xi32, #tpu.memory_space<hbm>>
      tpu.enqueue_dma source(%dma_start3A_53 : memref<160x128xi32, #tpu.memory_space<hbm>>) target(%arg7 : memref<160x128xi32, #tpu.memory_space<vmem>>) target_semaphore(%run_scoped3A : memref<!tpu.dma_semaphore, #tpu.memory_space<semaphore_mem>>)
      %dma_wait3A_54 = arith.constant 0 : i32
      %dma_wait3A_55 = arith.constant 0 : i32
      %dma_wait3A_56 = tpu.memref_slice %arg4[%arg0, %arg1, %dma_wait3A_54, %dma_wait3A_55] : memref<2x16x160x128xi32, #tpu.memory_space<hbm>> -> memref<1x1x160x128xi32, #tpu.memory_space<hbm>>
      %dma_wait3A_57 = tpu.memref_squeeze %dma_wait3A_56 : memref<1x1x160x128xi32, #tpu.memory_space<hbm>> -> memref<160x128xi32, #tpu.memory_space<hbm>>
      %dma_wait3A_58 = arith.constant 0 : i32
      %dma_wait3A_59 = arith.constant 0 : i32
      %dma_wait3A_60 = tpu.memref_slice %arg4[%arg0, %arg1, %dma_wait3A_58, %dma_wait3A_59] : memref<2x16x160x128xi32, #tpu.memory_space<hbm>> -> memref<1x1x160x128xi32, #tpu.memory_space<hbm>>
      %dma_wait3A_61 = tpu.memref_squeeze %dma_wait3A_60 : memref<1x1x160x128xi32, #tpu.memory_space<hbm>> -> memref<160x128xi32, #tpu.memory_space<hbm>>
      tpu.wait_dma2 semaphore(%run_scoped3A : memref<!tpu.dma_semaphore, #tpu.memory_space<semaphore_mem>>) src(%dma_wait3A_61 : memref<160x128xi32, #tpu.memory_space<hbm>>) dst(%arg7 : memref<160x128xi32, #tpu.memory_space<vmem>>)
      tpu.yield
    }) : () -> ()
    %broadcast_in_dim3A = arith.constant 0.000000e+00 : f32
    %broadcast_in_dim3A_1 = vector.broadcast %broadcast_in_dim3A : f32 to vector<16xf32>
    %scan3A = arith.constant 0 : i32
    %scan3A_2 = arith.constant 64 : i32
    %scan3A_3 = arith.addi %scan3A, %scan3A_2 : i32
    %scan3A_4 = arith.constant 1 : i32
    scf.for %scan3A_46 = %scan3A to %scan3A_3 step %scan3A_4  : i32 {
      %mul3A_47 = arith.constant 1 : i32
      %mul3A_48 = arith.muli %scan3A_46, %mul3A_47 : i32
      %add3A = arith.constant 0 : i32
      %add3A_49 = arith.addi %add3A, %mul3A_48 : i32
      %scan3A_50 = arith.constant 0 : i32
      %scan3A_51 = arith.constant 8 : i32
      %scan3A_52 = arith.addi %scan3A_50, %scan3A_51 : i32
      %scan3A_53 = arith.constant 1 : i32
      scf.for %scan3A_55 = %scan3A_50 to %scan3A_52 step %scan3A_53  : i32 {
        %mul3A_56 = arith.constant 16 : i32
        %mul3A_57 = arith.muli %scan3A_55, %mul3A_56 : i32
        %add3A_58 = arith.constant 0 : i32
        %add3A_59 = arith.addi %add3A_58, %mul3A_57 : i32
        %swap3A = arith.index_cast %add3A_49 : i32 to index
        %swap3A_60 = arith.index_cast %add3A_59 : i32 to index
        %swap3A_61 = tpu.vector_load %arg12[%swap3A, %swap3A_60] {strides = array<i32>} : memref<64x128xf32, #tpu.memory_space<vmem>>, vector<16xf32>,
        tpu.vector_store %arg12[%swap3A, %swap3A_60], %broadcast_in_dim3A_1 {strides = array<i32>} : memref<64x128xf32, #tpu.memory_space<vmem>>, vector<16xf32>,
      }
      %scan3A_54 = arith.constant 8 : i32
    }
    %scan3A_5 = arith.constant 64 : i32
    %scan3A_6 = arith.constant 0 : i32
    %scan3A_7 = arith.constant 5 : i32
    %scan3A_8 = arith.addi %scan3A_6, %scan3A_7 : i32
    %scan3A_9 = arith.constant 1 : i32
    scf.for %scan3A_46 = %scan3A_6 to %scan3A_8 step %scan3A_9  : i32 {
      %mul3A_47 = arith.constant 1 : i32
      %mul3A_48 = arith.muli %scan3A_46, %mul3A_47 : i32
      %add3A = arith.constant 0 : i32
      %add3A_49 = arith.addi %add3A, %mul3A_48 : i32
      %mul3A_50 = arith.constant 16 : i32
      %mul3A_51 = arith.muli %add3A_49, %mul3A_50 : i32
      %add3A_52 = arith.addi %mul3A_51, %arg1 : i32
      %lt3A = arith.constant 79 : i32
      %lt3A_53 = arith.cmpi slt, %add3A_52, %lt3A : i32
      %convert_element_type3A = arith.extui %lt3A_53 : i1 to i32
      %cond3A = arith.constant 0 : i32
      %cond3A_54 = arith.cmpi ne, %convert_element_type3A, %cond3A : i32
      scf.if %cond3A_54 {
        %mul3A_55 = arith.constant 64 : i32
        %mul3A_56 = arith.muli %add3A_52, %mul3A_55 : i32
        "tpu.region"() ({
          %run_scoped3A = tpu.sem_alloc : memref<!tpu.dma_semaphore, #tpu.memory_space<semaphore_mem>>
          %dma_start3A_57 = arith.constant 0 : i32
          %dma_start3A_58 = tpu.memref_slice %arg14[%mul3A_56, %dma_start3A_57] : memref<5072x128xf32, #tpu.memory_space<vmem_shared>> -> memref<64x128xf32, #tpu.memory_space<vmem_shared>>
          %dma_start3A_59 = arith.constant 0 : i32
          %dma_start3A_60 = tpu.memref_slice %arg14[%mul3A_56, %dma_start3A_59] : memref<5072x128xf32, #tpu.memory_space<vmem_shared>> -> memref<64x128xf32, #tpu.memory_space<vmem_shared>>
          tpu.enqueue_dma source(%arg12 : memref<64x128xf32, #tpu.memory_space<vmem>>) target(%dma_start3A_60 : memref<64x128xf32, #tpu.memory_space<vmem_shared>>) target_semaphore(%run_scoped3A : memref<!tpu.dma_semaphore, #tpu.memory_space<semaphore_mem>>)
          %dma_wait3A_61 = arith.constant 0 : i32
          %dma_wait3A_62 = tpu.memref_slice %arg14[%mul3A_56, %dma_wait3A_61] : memref<5072x128xf32, #tpu.memory_space<vmem_shared>> -> memref<64x128xf32, #tpu.memory_space<vmem_shared>>
          %dma_wait3A_63 = arith.constant 0 : i32
          %dma_wait3A_64 = tpu.memref_slice %arg14[%mul3A_56, %dma_wait3A_63] : memref<5072x128xf32, #tpu.memory_space<vmem_shared>> -> memref<64x128xf32, #tpu.memory_space<vmem_shared>>
          tpu.wait_dma2 semaphore(%run_scoped3A : memref<!tpu.dma_semaphore, #tpu.memory_space<semaphore_mem>>) src(%arg12 : memref<64x128xf32, #tpu.memory_space<vmem>>) dst(%dma_wait3A_64 : memref<64x128xf32, #tpu.memory_space<vmem_shared>>)
          tpu.yield
        }) : () -> ()
      } else {
      }
    }
    %scan3A_10 = arith.constant 5 : i32
    %barrier3A = arith.constant 0 : index
    tpu.barrier barrier_id(%barrier3A)
    %dma_start3A = arith.constant 0 : i32
    %dma_start3A_11 = arith.constant 0 : i32
    %dma_start3A_12 = tpu.memref_slice %arg6[%dma_start3A, %dma_start3A_11] : memref<160x128xi32, #tpu.memory_space<vmem>> -> memref<1x128xi32, #tpu.memory_space<vmem>>
    %dma_start3A_13 = tpu.memref_squeeze %dma_start3A_12 : memref<1x128xi32, #tpu.memory_space<vmem>> -> memref<128xi32, #tpu.memory_space<vmem>>
    %dma_start3A_14 = arith.constant 0 : i32
    %dma_start3A_15 = arith.constant 0 : i32
    %dma_start3A_16 = tpu.memref_slice %arg2[%dma_start3A_14, %dma_start3A_15] : memref<10240x128xf32, #tpu.memory_space<hbm>> -> memref<10240x128xf32, #tpu.memory_space<hbm>>
    tpu.enqueue_indirect_dma source(%dma_start3A_16 : memref<10240x128xf32, #tpu.memory_space<hbm>>) target(%arg10 : memref<128x128xf32, #tpu.memory_space<vmem>>) offsets(%dma_start3A_13 : memref<128xi32, #tpu.memory_space<vmem>>) semaphore(%arg15 : memref<!tpu.dma_semaphore, #tpu.memory_space<semaphore_mem>>)
    %dma_start3A_17 = arith.constant 1 : i32
    %dma_start3A_18 = arith.constant 0 : i32
    %dma_start3A_19 = tpu.memref_slice %arg6[%dma_start3A_17, %dma_start3A_18] : memref<160x128xi32, #tpu.memory_space<vmem>> -> memref<1x128xi32, #tpu.memory_space<vmem>>
    %dma_start3A_20 = tpu.memref_squeeze %dma_start3A_19 : memref<1x128xi32, #tpu.memory_space<vmem>> -> memref<128xi32, #tpu.memory_space<vmem>>
    %dma_start3A_21 = arith.constant 0 : i32
    %dma_start3A_22 = arith.constant 0 : i32
    %dma_start3A_23 = tpu.memref_slice %arg2[%dma_start3A_21, %dma_start3A_22] : memref<10240x128xf32, #tpu.memory_space<hbm>> -> memref<10240x128xf32, #tpu.memory_space<hbm>>
    tpu.enqueue_indirect_dma source(%dma_start3A_23 : memref<10240x128xf32, #tpu.memory_space<hbm>>) target(%arg11 : memref<128x128xf32, #tpu.memory_space<vmem>>) offsets(%dma_start3A_20 : memref<128xi32, #tpu.memory_space<vmem>>) semaphore(%arg16 : memref<!tpu.dma_semaphore, #tpu.memory_space<semaphore_mem>>)
    %scan3A_24 = arith.constant 0 : i32
    %scan3A_25 = arith.constant 80 : i32
    %scan3A_26 = arith.addi %scan3A_24, %scan3A_25 : i32
    %scan3A_27 = arith.constant 1 : i32
    scf.for %scan3A_46 = %scan3A_24 to %scan3A_26 step %scan3A_27  : i32 {
      %mul3A_47 = arith.constant 2 : i32
      %mul3A_48 = arith.muli %scan3A_46, %mul3A_47 : i32
      %add3A = arith.constant 0 : i32
      %add3A_49 = arith.addi %add3A, %mul3A_48 : i32
      %dma_wait3A_50 = arith.constant 0 : i32
      %dma_wait3A_51 = arith.constant 0 : i32
      %dma_wait3A_52 = tpu.memref_slice %arg2[%dma_wait3A_50, %dma_wait3A_51] : memref<10240x128xf32, #tpu.memory_space<hbm>> -> memref<128x128xf32, #tpu.memory_space<hbm>>
      %dma_wait3A_53 = arith.constant 0 : i32
      %dma_wait3A_54 = arith.constant 0 : i32
      %dma_wait3A_55 = tpu.memref_slice %arg2[%dma_wait3A_53, %dma_wait3A_54] : memref<10240x128xf32, #tpu.memory_space<hbm>> -> memref<128x128xf32, #tpu.memory_space<hbm>>
      tpu.wait_dma2 semaphore(%arg15 : memref<!tpu.dma_semaphore, #tpu.memory_space<semaphore_mem>>) src(%dma_wait3A_55 : memref<128x128xf32, #tpu.memory_space<hbm>>) dst(%arg10 : memref<128x128xf32, #tpu.memory_space<vmem>>)
      %scan3A_56 = arith.constant 0 : i32
      %scan3A_57 = arith.constant 8 : i32
      %scan3A_58 = arith.addi %scan3A_56, %scan3A_57 : i32
      %scan3A_59 = arith.constant 1 : i32
      scf.for %scan3A_89 = %scan3A_56 to %scan3A_58 step %scan3A_59  : i32 {
        %mul3A_90 = arith.constant 16 : i32
        %mul3A_91 = arith.muli %scan3A_89, %mul3A_90 : i32
        %add3A_92 = arith.constant 0 : i32
        %add3A_93 = arith.addi %add3A_92, %mul3A_91 : i32
        %get3A = arith.index_cast %add3A_49 : i32 to index
        %get3A_94 = arith.index_cast %add3A_93 : i32 to index
        %get3A_95 = tpu.vector_load %arg7[%get3A, %get3A_94] {strides = array<i32>} : memref<160x128xi32, #tpu.memory_space<vmem>>, vector<16xi32>,
        %swap3A = arith.index_cast %add3A_93 : i32 to index
        %swap3A_96 = tpu.vector_load %arg8[%swap3A] {strides = array<i32>} : memref<128xi32, #tpu.memory_space<vmem>>, vector<16xi32>,
        tpu.vector_store %arg8[%swap3A], %get3A_95 {strides = array<i32>} : memref<128xi32, #tpu.memory_space<vmem>>, vector<16xi32>,
      }
      %scan3A_60 = arith.constant 8 : i32
      %dma_start3A_61 = arith.constant 0 : i32
      %dma_start3A_62 = arith.constant 0 : i32
      %dma_start3A_63 = tpu.memref_slice %arg14[%dma_start3A_61, %dma_start3A_62] : memref<5072x128xf32, #tpu.memory_space<vmem_shared>> -> memref<5072x128xf32, #tpu.memory_space<vmem_shared>>
      tpu.enqueue_indirect_dma source(%arg10 : memref<128x128xf32, #tpu.memory_space<vmem>>) target(%dma_start3A_63 : memref<5072x128xf32, #tpu.memory_space<vmem_shared>>) offsets(%arg8 : memref<128xi32, #tpu.memory_space<vmem>>) semaphore(%arg17 : memref<!tpu.dma_semaphore, #tpu.memory_space<semaphore_mem>>) {add = true}
      %dma_wait3A_64 = arith.constant 0 : i32
      %dma_wait3A_65 = arith.constant 0 : i32
      %dma_wait3A_66 = tpu.memref_slice %arg2[%dma_wait3A_64, %dma_wait3A_65] : memref<10240x128xf32, #tpu.memory_space<hbm>> -> memref<128x128xf32, #tpu.memory_space<hbm>>
      %dma_wait3A_67 = arith.constant 0 : i32
      %dma_wait3A_68 = arith.constant 0 : i32
      %dma_wait3A_69 = tpu.memref_slice %arg2[%dma_wait3A_67, %dma_wait3A_68] : memref<10240x128xf32, #tpu.memory_space<hbm>> -> memref<128x128xf32, #tpu.memory_space<hbm>>
      tpu.wait_dma2 semaphore(%arg16 : memref<!tpu.dma_semaphore, #tpu.memory_space<semaphore_mem>>) src(%dma_wait3A_69 : memref<128x128xf32, #tpu.memory_space<hbm>>) dst(%arg11 : memref<128x128xf32, #tpu.memory_space<vmem>>)
      %scan3A_70 = arith.constant 0 : i32
      %scan3A_71 = arith.constant 8 : i32
      %scan3A_72 = arith.addi %scan3A_70, %scan3A_71 : i32
      %scan3A_73 = arith.constant 1 : i32
      scf.for %scan3A_89 = %scan3A_70 to %scan3A_72 step %scan3A_73  : i32 {
        %mul3A_90 = arith.constant 16 : i32
        %mul3A_91 = arith.muli %scan3A_89, %mul3A_90 : i32
        %add3A_92 = arith.constant 0 : i32
        %add3A_93 = arith.addi %add3A_92, %mul3A_91 : i32
        %add3A_94 = arith.constant 1 : i32
        %add3A_95 = arith.addi %add3A_49, %add3A_94 : i32
        %get3A = arith.index_cast %add3A_95 : i32 to index
        %get3A_96 = arith.index_cast %add3A_93 : i32 to index
        %get3A_97 = tpu.vector_load %arg7[%get3A, %get3A_96] {strides = array<i32>} : memref<160x128xi32, #tpu.memory_space<vmem>>, vector<16xi32>,
        %swap3A = arith.index_cast %add3A_93 : i32 to index
        %swap3A_98 = tpu.vector_load %arg9[%swap3A] {strides = array<i32>} : memref<128xi32, #tpu.memory_space<vmem>>, vector<16xi32>,
        tpu.vector_store %arg9[%swap3A], %get3A_97 {strides = array<i32>} : memref<128xi32, #tpu.memory_space<vmem>>, vector<16xi32>,
      }
      %scan3A_74 = arith.constant 8 : i32
      %dma_start3A_75 = arith.constant 0 : i32
      %dma_start3A_76 = arith.constant 0 : i32
      %dma_start3A_77 = tpu.memref_slice %arg14[%dma_start3A_75, %dma_start3A_76] : memref<5072x128xf32, #tpu.memory_space<vmem_shared>> -> memref<5072x128xf32, #tpu.memory_space<vmem_shared>>
      tpu.enqueue_indirect_dma source(%arg11 : memref<128x128xf32, #tpu.memory_space<vmem>>) target(%dma_start3A_77 : memref<5072x128xf32, #tpu.memory_space<vmem_shared>>) offsets(%arg9 : memref<128xi32, #tpu.memory_space<vmem>>) semaphore(%arg18 : memref<!tpu.dma_semaphore, #tpu.memory_space<semaphore_mem>>) {add = true}
      %add3A_78 = arith.constant 2 : i32
      %add3A_79 = arith.addi %add3A_49, %add3A_78 : i32
      %lt3A = arith.constant 160 : i32
      %lt3A_80 = arith.cmpi slt, %add3A_79, %lt3A : i32
      %convert_element_type3A = arith.extui %lt3A_80 : i1 to i32
      %cond3A = arith.constant 0 : i32
      %cond3A_81 = arith.cmpi ne, %convert_element_type3A, %cond3A : i32
      scf.if %cond3A_81 {
        %dma_wait3A_89 = arith.constant 0 : i32
        %dma_wait3A_90 = arith.constant 0 : i32
        %dma_wait3A_91 = tpu.memref_slice %arg2[%dma_wait3A_89, %dma_wait3A_90] : memref<10240x128xf32, #tpu.memory_space<hbm>> -> memref<128x128xf32, #tpu.memory_space<hbm>>
        %dma_wait3A_92 = arith.constant 0 : i32
        %dma_wait3A_93 = arith.constant 0 : i32
        %dma_wait3A_94 = tpu.memref_slice %arg2[%dma_wait3A_92, %dma_wait3A_93] : memref<10240x128xf32, #tpu.memory_space<hbm>> -> memref<128x128xf32, #tpu.memory_space<hbm>>
        tpu.wait_dma2 semaphore(%arg17 : memref<!tpu.dma_semaphore, #tpu.memory_space<semaphore_mem>>) src(%dma_wait3A_94 : memref<128x128xf32, #tpu.memory_space<hbm>>) dst(%arg10 : memref<128x128xf32, #tpu.memory_space<vmem>>)
        %add3A_95 = arith.constant 2 : i32
        %add3A_96 = arith.addi %add3A_49, %add3A_95 : i32
        %dma_start3A_97 = arith.constant 0 : i32
        %dma_start3A_98 = tpu.memref_slice %arg6[%add3A_96, %dma_start3A_97] : memref<160x128xi32, #tpu.memory_space<vmem>> -> memref<1x128xi32, #tpu.memory_space<vmem>>
        %dma_start3A_99 = tpu.memref_squeeze %dma_start3A_98 : memref<1x128xi32, #tpu.memory_space<vmem>> -> memref<128xi32, #tpu.memory_space<vmem>>
        %dma_start3A_100 = arith.constant 0 : i32
        %dma_start3A_101 = arith.constant 0 : i32
        %dma_start3A_102 = tpu.memref_slice %arg2[%dma_start3A_100, %dma_start3A_101] : memref<10240x128xf32, #tpu.memory_space<hbm>> -> memref<10240x128xf32, #tpu.memory_space<hbm>>
        tpu.enqueue_indirect_dma source(%dma_start3A_102 : memref<10240x128xf32, #tpu.memory_space<hbm>>) target(%arg10 : memref<128x128xf32, #tpu.memory_space<vmem>>) offsets(%dma_start3A_99 : memref<128xi32, #tpu.memory_space<vmem>>) semaphore(%arg15 : memref<!tpu.dma_semaphore, #tpu.memory_space<semaphore_mem>>)
      } else {
      }
      %add3A_82 = arith.constant 3 : i32
      %add3A_83 = arith.addi %add3A_49, %add3A_82 : i32
      %lt3A_84 = arith.constant 160 : i32
      %lt3A_85 = arith.cmpi slt, %add3A_83, %lt3A_84 : i32
      %convert_element_type3A_86 = arith.extui %lt3A_85 : i1 to i32
      %cond3A_87 = arith.constant 0 : i32
      %cond3A_88 = arith.cmpi ne, %convert_element_type3A_86, %cond3A_87 : i32
      scf.if %cond3A_88 {
        %dma_wait3A_89 = arith.constant 0 : i32
        %dma_wait3A_90 = arith.constant 0 : i32
        %dma_wait3A_91 = tpu.memref_slice %arg2[%dma_wait3A_89, %dma_wait3A_90] : memref<10240x128xf32, #tpu.memory_space<hbm>> -> memref<128x128xf32, #tpu.memory_space<hbm>>
        %dma_wait3A_92 = arith.constant 0 : i32
        %dma_wait3A_93 = arith.constant 0 : i32
        %dma_wait3A_94 = tpu.memref_slice %arg2[%dma_wait3A_92, %dma_wait3A_93] : memref<10240x128xf32, #tpu.memory_space<hbm>> -> memref<128x128xf32, #tpu.memory_space<hbm>>
        tpu.wait_dma2 semaphore(%arg18 : memref<!tpu.dma_semaphore, #tpu.memory_space<semaphore_mem>>) src(%dma_wait3A_94 : memref<128x128xf32, #tpu.memory_space<hbm>>) dst(%arg11 : memref<128x128xf32, #tpu.memory_space<vmem>>)
        %add3A_95 = arith.constant 3 : i32
        %add3A_96 = arith.addi %add3A_49, %add3A_95 : i32
        %dma_start3A_97 = arith.constant 0 : i32
        %dma_start3A_98 = tpu.memref_slice %arg6[%add3A_96, %dma_start3A_97] : memref<160x128xi32, #tpu.memory_space<vmem>> -> memref<1x128xi32, #tpu.memory_space<vmem>>
        %dma_start3A_99 = tpu.memref_squeeze %dma_start3A_98 : memref<1x128xi32, #tpu.memory_space<vmem>> -> memref<128xi32, #tpu.memory_space<vmem>>
        %dma_start3A_100 = arith.constant 0 : i32
        %dma_start3A_101 = arith.constant 0 : i32
        %dma_start3A_102 = tpu.memref_slice %arg2[%dma_start3A_100, %dma_start3A_101] : memref<10240x128xf32, #tpu.memory_space<hbm>> -> memref<10240x128xf32, #tpu.memory_space<hbm>>
        tpu.enqueue_indirect_dma source(%dma_start3A_102 : memref<10240x128xf32, #tpu.memory_space<hbm>>) target(%arg11 : memref<128x128xf32, #tpu.memory_space<vmem>>) offsets(%dma_start3A_99 : memref<128xi32, #tpu.memory_space<vmem>>) semaphore(%arg16 : memref<!tpu.dma_semaphore, #tpu.memory_space<semaphore_mem>>)
      } else {
      }
    }
    %scan3A_28 = arith.constant 80 : i32
    %dma_wait3A = arith.constant 0 : i32
    %dma_wait3A_29 = arith.constant 0 : i32
    %dma_wait3A_30 = tpu.memref_slice %arg2[%dma_wait3A, %dma_wait3A_29] : memref<10240x128xf32, #tpu.memory_space<hbm>> -> memref<128x128xf32, #tpu.memory_space<hbm>>
    %dma_wait3A_31 = arith.constant 0 : i32
    %dma_wait3A_32 = arith.constant 0 : i32
    %dma_wait3A_33 = tpu.memref_slice %arg2[%dma_wait3A_31, %dma_wait3A_32] : memref<10240x128xf32, #tpu.memory_space<hbm>> -> memref<128x128xf32, #tpu.memory_space<hbm>>
    tpu.wait_dma2 semaphore(%arg17 : memref<!tpu.dma_semaphore, #tpu.memory_space<semaphore_mem>>) src(%dma_wait3A_33 : memref<128x128xf32, #tpu.memory_space<hbm>>) dst(%arg10 : memref<128x128xf32, #tpu.memory_space<vmem>>)
    %dma_wait3A_34 = arith.constant 0 : i32
    %dma_wait3A_35 = arith.constant 0 : i32
    %dma_wait3A_36 = tpu.memref_slice %arg2[%dma_wait3A_34, %dma_wait3A_35] : memref<10240x128xf32, #tpu.memory_space<hbm>> -> memref<128x128xf32, #tpu.memory_space<hbm>>
    %dma_wait3A_37 = arith.constant 0 : i32
    %dma_wait3A_38 = arith.constant 0 : i32
    %dma_wait3A_39 = tpu.memref_slice %arg2[%dma_wait3A_37, %dma_wait3A_38] : memref<10240x128xf32, #tpu.memory_space<hbm>> -> memref<128x128xf32, #tpu.memory_space<hbm>>
    tpu.wait_dma2 semaphore(%arg18 : memref<!tpu.dma_semaphore, #tpu.memory_space<semaphore_mem>>) src(%dma_wait3A_39 : memref<128x128xf32, #tpu.memory_space<hbm>>) dst(%arg11 : memref<128x128xf32, #tpu.memory_space<vmem>>)
    %barrier3A_40 = arith.constant 0 : index
    tpu.barrier barrier_id(%barrier3A_40)
    %scan3A_41 = arith.constant 0 : i32
    %scan3A_42 = arith.constant 5 : i32
    %scan3A_43 = arith.addi %scan3A_41, %scan3A_42 : i32
    %scan3A_44 = arith.constant 1 : i32
    scf.for %scan3A_46 = %scan3A_41 to %scan3A_43 step %scan3A_44  : i32 {
      %mul3A_47 = arith.constant 1 : i32
      %mul3A_48 = arith.muli %scan3A_46, %mul3A_47 : i32
      %add3A = arith.constant 0 : i32
      %add3A_49 = arith.addi %add3A, %mul3A_48 : i32
      %mul3A_50 = arith.constant 16 : i32
      %mul3A_51 = arith.muli %add3A_49, %mul3A_50 : i32
      %add3A_52 = arith.addi %mul3A_51, %arg1 : i32
      %lt3A = arith.constant 79 : i32
      %lt3A_53 = arith.cmpi slt, %add3A_52, %lt3A : i32
      %convert_element_type3A = arith.extui %lt3A_53 : i1 to i32
      %cond3A = arith.constant 0 : i32
      %cond3A_54 = arith.cmpi ne, %convert_element_type3A, %cond3A : i32
      scf.if %cond3A_54 {
        %mul3A_55 = arith.constant 64 : i32
        %mul3A_56 = arith.muli %add3A_52, %mul3A_55 : i32
        "tpu.region"() ({
          %run_scoped3A = tpu.sem_alloc : memref<!tpu.dma_semaphore, #tpu.memory_space<semaphore_mem>>
          %dma_start3A_60 = arith.constant 0 : i32
          %dma_start3A_61 = tpu.memref_slice %arg14[%mul3A_56, %dma_start3A_60] : memref<5072x128xf32, #tpu.memory_space<vmem_shared>> -> memref<64x128xf32, #tpu.memory_space<vmem_shared>>
          %dma_start3A_62 = arith.constant 0 : i32
          %dma_start3A_63 = tpu.memref_slice %arg14[%mul3A_56, %dma_start3A_62] : memref<5072x128xf32, #tpu.memory_space<vmem_shared>> -> memref<64x128xf32, #tpu.memory_space<vmem_shared>>
          tpu.enqueue_dma source(%dma_start3A_63 : memref<64x128xf32, #tpu.memory_space<vmem_shared>>) target(%arg13 : memref<64x128xf32, #tpu.memory_space<vmem>>) target_semaphore(%run_scoped3A : memref<!tpu.dma_semaphore, #tpu.memory_space<semaphore_mem>>)
          %dma_wait3A_64 = arith.constant 0 : i32
          %dma_wait3A_65 = tpu.memref_slice %arg14[%mul3A_56, %dma_wait3A_64] : memref<5072x128xf32, #tpu.memory_space<vmem_shared>> -> memref<64x128xf32, #tpu.memory_space<vmem_shared>>
          %dma_wait3A_66 = arith.constant 0 : i32
          %dma_wait3A_67 = tpu.memref_slice %arg14[%mul3A_56, %dma_wait3A_66] : memref<5072x128xf32, #tpu.memory_space<vmem_shared>> -> memref<64x128xf32, #tpu.memory_space<vmem_shared>>
          tpu.wait_dma2 semaphore(%run_scoped3A : memref<!tpu.dma_semaphore, #tpu.memory_space<semaphore_mem>>) src(%dma_wait3A_67 : memref<64x128xf32, #tpu.memory_space<vmem_shared>>) dst(%arg13 : memref<64x128xf32, #tpu.memory_space<vmem>>)
          tpu.yield
        }) : () -> ()
        %mul3A_57 = arith.constant 64 : i32
        %mul3A_58 = arith.muli %add3A_52, %mul3A_57 : i32
        %add3A_59 = arith.addi %mul3A_0, %mul3A_58 : i32
        "tpu.region"() ({
          %run_scoped3A = tpu.sem_alloc : memref<!tpu.dma_semaphore, #tpu.memory_space<semaphore_mem>>
          %dma_start3A_60 = arith.constant 0 : i32
          %dma_start3A_61 = tpu.memref_slice %arg5[%add3A_59, %dma_start3A_60] : memref<10240x128xf32, #tpu.memory_space<hbm>> -> memref<64x128xf32, #tpu.memory_space<hbm>>
          %dma_start3A_62 = arith.constant 0 : i32
          %dma_start3A_63 = tpu.memref_slice %arg5[%add3A_59, %dma_start3A_62] : memref<10240x128xf32, #tpu.memory_space<hbm>> -> memref<64x128xf32, #tpu.memory_space<hbm>>
          tpu.enqueue_dma source(%arg13 : memref<64x128xf32, #tpu.memory_space<vmem>>) target(%dma_start3A_63 : memref<64x128xf32, #tpu.memory_space<hbm>>) target_semaphore(%run_scoped3A : memref<!tpu.dma_semaphore, #tpu.memory_space<semaphore_mem>>)
          %dma_wait3A_64 = arith.constant 0 : i32
          %dma_wait3A_65 = tpu.memref_slice %arg5[%add3A_59, %dma_wait3A_64] : memref<10240x128xf32, #tpu.memory_space<hbm>> -> memref<64x128xf32, #tpu.memory_space<hbm>>
          %dma_wait3A_66 = arith.constant 0 : i32
          %dma_wait3A_67 = tpu.memref_slice %arg5[%add3A_59, %dma_wait3A_66] : memref<10240x128xf32, #tpu.memory_space<hbm>> -> memref<64x128xf32, #tpu.memory_space<hbm>>
          tpu.wait_dma2 semaphore(%run_scoped3A : memref<!tpu.dma_semaphore, #tpu.memory_space<semaphore_mem>>) src(%arg13 : memref<64x128xf32, #tpu.memory_space<vmem>>) dst(%dma_wait3A_67 : memref<64x128xf32, #tpu.memory_space<hbm>>)
          tpu.yield
        }) : () -> ()
      } else {
      }
    }
    %scan3A_45 = arith.constant 5 : i32
    return
  }
}

#map = affine_map<(d0, d1) -> (0, 0, 0, 0)>
#map1 = affine_map<(d0, d1) -> (0, 0)>
module attributes {stable_mosaic.version = 14 : i64} {
  func.func @k(%arg0: i32, %arg1: i32, %arg2: memref<2x16x160x128xi32, #tpu.memory_space<hbm>>, %arg3: memref<128x128xf32, #tpu.memory_space<hbm>>, %arg4: memref<10240x128xf32, #tpu.memory_space<hbm>>, %arg5: memref<160x128xi32, #tpu.memory_space<vmem>>, %arg6: memref<128xi32, #tpu.memory_space<vmem>>, %arg7: memref<128x128xf32, #tpu.memory_space<vmem>>, %arg8: memref<64x128xf32, #tpu.memory_space<vmem>>, %arg9: memref<64x128xf32, #tpu.memory_space<vmem>>, %arg10: memref<5072x128xf32, #tpu.memory_space<vmem_shared>>) attributes {dimension_semantics = [#tpu.dimension_semantics<core_parallel>, #tpu.dimension_semantics<subcore_parallel>], iteration_bounds = array<i64: 2, 16>, scalar_prefetch = 0 : i64, scratch_operands = 6 : i64, tpu.core_type = #tpu.core_type<sc_vector_subcore>, window_params = [{transform_indices = #map}, {transform_indices = #map1}, {transform_indices = #map1}]} {
    %mul3A = arith.constant 5056 : i32
    %mul3A_0 = arith.muli %arg0, %mul3A : i32
    "tpu.region"() ({
      %run_scoped3A = tpu.sem_alloc : memref<!tpu.dma_semaphore, #tpu.memory_space<semaphore_mem>>
      %dma_start3A = arith.constant 0 : i32
      %dma_start3A_22 = arith.constant 0 : i32
      %dma_start3A_23 = tpu.memref_slice %arg2[%arg0, %arg1, %dma_start3A, %dma_start3A_22] : memref<2x16x160x128xi32, #tpu.memory_space<hbm>> -> memref<1x1x160x128xi32, #tpu.memory_space<hbm>>
      %dma_start3A_24 = tpu.memref_squeeze %dma_start3A_23 : memref<1x1x160x128xi32, #tpu.memory_space<hbm>> -> memref<160x128xi32, #tpu.memory_space<hbm>>
      %dma_start3A_25 = arith.constant 0 : i32
      %dma_start3A_26 = arith.constant 0 : i32
      %dma_start3A_27 = tpu.memref_slice %arg2[%arg0, %arg1, %dma_start3A_25, %dma_start3A_26] : memref<2x16x160x128xi32, #tpu.memory_space<hbm>> -> memref<1x1x160x128xi32, #tpu.memory_space<hbm>>
      %dma_start3A_28 = tpu.memref_squeeze %dma_start3A_27 : memref<1x1x160x128xi32, #tpu.memory_space<hbm>> -> memref<160x128xi32, #tpu.memory_space<hbm>>
      tpu.enqueue_dma source(%dma_start3A_28 : memref<160x128xi32, #tpu.memory_space<hbm>>) target(%arg5 : memref<160x128xi32, #tpu.memory_space<vmem>>) target_semaphore(%run_scoped3A : memref<!tpu.dma_semaphore, #tpu.memory_space<semaphore_mem>>)
      %dma_wait3A = arith.constant 0 : i32
      %dma_wait3A_29 = arith.constant 0 : i32
      %dma_wait3A_30 = tpu.memref_slice %arg2[%arg0, %arg1, %dma_wait3A, %dma_wait3A_29] : memref<2x16x160x128xi32, #tpu.memory_space<hbm>> -> memref<1x1x160x128xi32, #tpu.memory_space<hbm>>
      %dma_wait3A_31 = tpu.memref_squeeze %dma_wait3A_30 : memref<1x1x160x128xi32, #tpu.memory_space<hbm>> -> memref<160x128xi32, #tpu.memory_space<hbm>>
      %dma_wait3A_32 = arith.constant 0 : i32
      %dma_wait3A_33 = arith.constant 0 : i32
      %dma_wait3A_34 = tpu.memref_slice %arg2[%arg0, %arg1, %dma_wait3A_32, %dma_wait3A_33] : memref<2x16x160x128xi32, #tpu.memory_space<hbm>> -> memref<1x1x160x128xi32, #tpu.memory_space<hbm>>
      %dma_wait3A_35 = tpu.memref_squeeze %dma_wait3A_34 : memref<1x1x160x128xi32, #tpu.memory_space<hbm>> -> memref<160x128xi32, #tpu.memory_space<hbm>>
      tpu.wait_dma2 semaphore(%run_scoped3A : memref<!tpu.dma_semaphore, #tpu.memory_space<semaphore_mem>>) src(%dma_wait3A_35 : memref<160x128xi32, #tpu.memory_space<hbm>>) dst(%arg5 : memref<160x128xi32, #tpu.memory_space<vmem>>)
      tpu.yield
    }) : () -> ()
    "tpu.region"() ({
      %run_scoped3A = tpu.sem_alloc : memref<!tpu.dma_semaphore, #tpu.memory_space<semaphore_mem>>
      tpu.enqueue_dma source(%arg3 : memref<128x128xf32, #tpu.memory_space<hbm>>) target(%arg7 : memref<128x128xf32, #tpu.memory_space<vmem>>) target_semaphore(%run_scoped3A : memref<!tpu.dma_semaphore, #tpu.memory_space<semaphore_mem>>)
      tpu.wait_dma2 semaphore(%run_scoped3A : memref<!tpu.dma_semaphore, #tpu.memory_space<semaphore_mem>>) src(%arg3 : memref<128x128xf32, #tpu.memory_space<hbm>>) dst(%arg7 : memref<128x128xf32, #tpu.memory_space<vmem>>)
      tpu.yield
    }) : () -> ()
    %broadcast_in_dim3A = arith.constant 0.000000e+00 : f32
    %broadcast_in_dim3A_1 = vector.broadcast %broadcast_in_dim3A : f32 to vector<16xf32>
    %scan3A = arith.constant 0 : i32
    %scan3A_2 = arith.constant 64 : i32
    %scan3A_3 = arith.addi %scan3A, %scan3A_2 : i32
    %scan3A_4 = arith.constant 1 : i32
    scf.for %scan3A_22 = %scan3A to %scan3A_3 step %scan3A_4  : i32 {
      %mul3A_23 = arith.constant 1 : i32
      %mul3A_24 = arith.muli %scan3A_22, %mul3A_23 : i32
      %add3A = arith.constant 0 : i32
      %add3A_25 = arith.addi %add3A, %mul3A_24 : i32
      %scan3A_26 = arith.constant 0 : i32
      %scan3A_27 = arith.constant 8 : i32
      %scan3A_28 = arith.addi %scan3A_26, %scan3A_27 : i32
      %scan3A_29 = arith.constant 1 : i32
      scf.for %scan3A_31 = %scan3A_26 to %scan3A_28 step %scan3A_29  : i32 {
        %mul3A_32 = arith.constant 16 : i32
        %mul3A_33 = arith.muli %scan3A_31, %mul3A_32 : i32
        %add3A_34 = arith.constant 0 : i32
        %add3A_35 = arith.addi %add3A_34, %mul3A_33 : i32
        %swap3A = arith.index_cast %add3A_25 : i32 to index
        %swap3A_36 = arith.index_cast %add3A_35 : i32 to index
        %swap3A_37 = tpu.vector_load %arg8[%swap3A, %swap3A_36] {strides = array<i32>} : memref<64x128xf32, #tpu.memory_space<vmem>>, vector<16xf32>,
        tpu.vector_store %arg8[%swap3A, %swap3A_36], %broadcast_in_dim3A_1 {strides = array<i32>} : memref<64x128xf32, #tpu.memory_space<vmem>>, vector<16xf32>,
      }
      %scan3A_30 = arith.constant 8 : i32
    }
    %scan3A_5 = arith.constant 64 : i32
    %scan3A_6 = arith.constant 0 : i32
    %scan3A_7 = arith.constant 5 : i32
    %scan3A_8 = arith.addi %scan3A_6, %scan3A_7 : i32
    %scan3A_9 = arith.constant 1 : i32
    scf.for %scan3A_22 = %scan3A_6 to %scan3A_8 step %scan3A_9  : i32 {
      %mul3A_23 = arith.constant 1 : i32
      %mul3A_24 = arith.muli %scan3A_22, %mul3A_23 : i32
      %add3A = arith.constant 0 : i32
      %add3A_25 = arith.addi %add3A, %mul3A_24 : i32
      %mul3A_26 = arith.constant 16 : i32
      %mul3A_27 = arith.muli %add3A_25, %mul3A_26 : i32
      %add3A_28 = arith.addi %mul3A_27, %arg1 : i32
      %lt3A = arith.constant 79 : i32
      %lt3A_29 = arith.cmpi slt, %add3A_28, %lt3A : i32
      %convert_element_type3A = arith.extui %lt3A_29 : i1 to i32
      %cond3A = arith.constant 0 : i32
      %cond3A_30 = arith.cmpi ne, %convert_element_type3A, %cond3A : i32
      scf.if %cond3A_30 {
        %mul3A_31 = arith.constant 64 : i32
        %mul3A_32 = arith.muli %add3A_28, %mul3A_31 : i32
        "tpu.region"() ({
          %run_scoped3A = tpu.sem_alloc : memref<!tpu.dma_semaphore, #tpu.memory_space<semaphore_mem>>
          %dma_start3A = arith.constant 0 : i32
          %dma_start3A_33 = tpu.memref_slice %arg10[%mul3A_32, %dma_start3A] : memref<5072x128xf32, #tpu.memory_space<vmem_shared>> -> memref<64x128xf32, #tpu.memory_space<vmem_shared>>
          %dma_start3A_34 = arith.constant 0 : i32
          %dma_start3A_35 = tpu.memref_slice %arg10[%mul3A_32, %dma_start3A_34] : memref<5072x128xf32, #tpu.memory_space<vmem_shared>> -> memref<64x128xf32, #tpu.memory_space<vmem_shared>>
          tpu.enqueue_dma source(%arg8 : memref<64x128xf32, #tpu.memory_space<vmem>>) target(%dma_start3A_35 : memref<64x128xf32, #tpu.memory_space<vmem_shared>>) target_semaphore(%run_scoped3A : memref<!tpu.dma_semaphore, #tpu.memory_space<semaphore_mem>>)
          %dma_wait3A = arith.constant 0 : i32
          %dma_wait3A_36 = tpu.memref_slice %arg10[%mul3A_32, %dma_wait3A] : memref<5072x128xf32, #tpu.memory_space<vmem_shared>> -> memref<64x128xf32, #tpu.memory_space<vmem_shared>>
          %dma_wait3A_37 = arith.constant 0 : i32
          %dma_wait3A_38 = tpu.memref_slice %arg10[%mul3A_32, %dma_wait3A_37] : memref<5072x128xf32, #tpu.memory_space<vmem_shared>> -> memref<64x128xf32, #tpu.memory_space<vmem_shared>>
          tpu.wait_dma2 semaphore(%run_scoped3A : memref<!tpu.dma_semaphore, #tpu.memory_space<semaphore_mem>>) src(%arg8 : memref<64x128xf32, #tpu.memory_space<vmem>>) dst(%dma_wait3A_38 : memref<64x128xf32, #tpu.memory_space<vmem_shared>>)
          tpu.yield
        }) : () -> ()
      } else {
      }
    }
    %scan3A_10 = arith.constant 5 : i32
    %barrier3A = arith.constant 0 : index
    tpu.barrier barrier_id(%barrier3A)
    %scan3A_11 = arith.constant 0 : i32
    %scan3A_12 = arith.constant 160 : i32
    %scan3A_13 = arith.addi %scan3A_11, %scan3A_12 : i32
    %scan3A_14 = arith.constant 1 : i32
    scf.for %scan3A_22 = %scan3A_11 to %scan3A_13 step %scan3A_14  : i32 {
      %mul3A_23 = arith.constant 1 : i32
      %mul3A_24 = arith.muli %scan3A_22, %mul3A_23 : i32
      %add3A = arith.constant 0 : i32
      %add3A_25 = arith.addi %add3A, %mul3A_24 : i32
      %scan3A_26 = arith.constant 0 : i32
      %scan3A_27 = arith.constant 8 : i32
      %scan3A_28 = arith.addi %scan3A_26, %scan3A_27 : i32
      %scan3A_29 = arith.constant 1 : i32
      scf.for %scan3A_31 = %scan3A_26 to %scan3A_28 step %scan3A_29  : i32 {
        %mul3A_32 = arith.constant 16 : i32
        %mul3A_33 = arith.muli %scan3A_31, %mul3A_32 : i32
        %add3A_34 = arith.constant 0 : i32
        %add3A_35 = arith.addi %add3A_34, %mul3A_33 : i32
        %get3A = arith.index_cast %add3A_25 : i32 to index
        %get3A_36 = arith.index_cast %add3A_35 : i32 to index
        %get3A_37 = tpu.vector_load %arg5[%get3A, %get3A_36] {strides = array<i32>} : memref<160x128xi32, #tpu.memory_space<vmem>>, vector<16xi32>,
        %swap3A = arith.index_cast %add3A_35 : i32 to index
        %swap3A_38 = tpu.vector_load %arg6[%swap3A] {strides = array<i32>} : memref<128xi32, #tpu.memory_space<vmem>>, vector<16xi32>,
        tpu.vector_store %arg6[%swap3A], %get3A_37 {strides = array<i32>} : memref<128xi32, #tpu.memory_space<vmem>>, vector<16xi32>,
      }
      %scan3A_30 = arith.constant 8 : i32
      "tpu.region"() ({
        %run_scoped3A = tpu.sem_alloc : memref<!tpu.dma_semaphore, #tpu.memory_space<semaphore_mem>>
        %dma_start3A = arith.constant 0 : i32
        %dma_start3A_31 = arith.constant 0 : i32
        %dma_start3A_32 = tpu.memref_slice %arg10[%dma_start3A, %dma_start3A_31] : memref<5072x128xf32, #tpu.memory_space<vmem_shared>> -> memref<5072x128xf32, #tpu.memory_space<vmem_shared>>
        tpu.enqueue_indirect_dma source(%arg7 : memref<128x128xf32, #tpu.memory_space<vmem>>) target(%dma_start3A_32 : memref<5072x128xf32, #tpu.memory_space<vmem_shared>>) offsets(%arg6 : memref<128xi32, #tpu.memory_space<vmem>>) semaphore(%run_scoped3A : memref<!tpu.dma_semaphore, #tpu.memory_space<semaphore_mem>>) {add = true}
        %dma_wait3A = arith.constant 0 : i32
        %dma_wait3A_33 = arith.constant 0 : i32
        %dma_wait3A_34 = tpu.memref_slice %arg10[%dma_wait3A, %dma_wait3A_33] : memref<5072x128xf32, #tpu.memory_space<vmem_shared>> -> memref<5072x128xf32, #tpu.memory_space<vmem_shared>>
        tpu.wait_indirect_dma semaphore(%run_scoped3A : memref<!tpu.dma_semaphore, #tpu.memory_space<semaphore_mem>>) src(%arg7 : memref<128x128xf32, #tpu.memory_space<vmem>>) dst(%dma_wait3A_34 : memref<5072x128xf32, #tpu.memory_space<vmem_shared>>)
        tpu.yield
      }) : () -> ()
    }
    %scan3A_15 = arith.constant 160 : i32
    %barrier3A_16 = arith.constant 0 : index
    tpu.barrier barrier_id(%barrier3A_16)
    %scan3A_17 = arith.constant 0 : i32
    %scan3A_18 = arith.constant 5 : i32
    %scan3A_19 = arith.addi %scan3A_17, %scan3A_18 : i32
    %scan3A_20 = arith.constant 1 : i32
    scf.for %scan3A_22 = %scan3A_17 to %scan3A_19 step %scan3A_20  : i32 {
      %mul3A_23 = arith.constant 1 : i32
      %mul3A_24 = arith.muli %scan3A_22, %mul3A_23 : i32
      %add3A = arith.constant 0 : i32
      %add3A_25 = arith.addi %add3A, %mul3A_24 : i32
      %mul3A_26 = arith.constant 16 : i32
      %mul3A_27 = arith.muli %add3A_25, %mul3A_26 : i32
      %add3A_28 = arith.addi %mul3A_27, %arg1 : i32
      %lt3A = arith.constant 79 : i32
      %lt3A_29 = arith.cmpi slt, %add3A_28, %lt3A : i32
      %convert_element_type3A = arith.extui %lt3A_29 : i1 to i32
      %cond3A = arith.constant 0 : i32
      %cond3A_30 = arith.cmpi ne, %convert_element_type3A, %cond3A : i32
      scf.if %cond3A_30 {
        %mul3A_31 = arith.constant 64 : i32
        %mul3A_32 = arith.muli %add3A_28, %mul3A_31 : i32
        "tpu.region"() ({
          %run_scoped3A = tpu.sem_alloc : memref<!tpu.dma_semaphore, #tpu.memory_space<semaphore_mem>>
          %dma_start3A = arith.constant 0 : i32
          %dma_start3A_36 = tpu.memref_slice %arg10[%mul3A_32, %dma_start3A] : memref<5072x128xf32, #tpu.memory_space<vmem_shared>> -> memref<64x128xf32, #tpu.memory_space<vmem_shared>>
          %dma_start3A_37 = arith.constant 0 : i32
          %dma_start3A_38 = tpu.memref_slice %arg10[%mul3A_32, %dma_start3A_37] : memref<5072x128xf32, #tpu.memory_space<vmem_shared>> -> memref<64x128xf32, #tpu.memory_space<vmem_shared>>
          tpu.enqueue_dma source(%dma_start3A_38 : memref<64x128xf32, #tpu.memory_space<vmem_shared>>) target(%arg9 : memref<64x128xf32, #tpu.memory_space<vmem>>) target_semaphore(%run_scoped3A : memref<!tpu.dma_semaphore, #tpu.memory_space<semaphore_mem>>)
          %dma_wait3A = arith.constant 0 : i32
          %dma_wait3A_39 = tpu.memref_slice %arg10[%mul3A_32, %dma_wait3A] : memref<5072x128xf32, #tpu.memory_space<vmem_shared>> -> memref<64x128xf32, #tpu.memory_space<vmem_shared>>
          %dma_wait3A_40 = arith.constant 0 : i32
          %dma_wait3A_41 = tpu.memref_slice %arg10[%mul3A_32, %dma_wait3A_40] : memref<5072x128xf32, #tpu.memory_space<vmem_shared>> -> memref<64x128xf32, #tpu.memory_space<vmem_shared>>
          tpu.wait_dma2 semaphore(%run_scoped3A : memref<!tpu.dma_semaphore, #tpu.memory_space<semaphore_mem>>) src(%dma_wait3A_41 : memref<64x128xf32, #tpu.memory_space<vmem_shared>>) dst(%arg9 : memref<64x128xf32, #tpu.memory_space<vmem>>)
          tpu.yield
        }) : () -> ()
        %mul3A_33 = arith.constant 64 : i32
        %mul3A_34 = arith.muli %add3A_28, %mul3A_33 : i32
        %add3A_35 = arith.addi %mul3A_0, %mul3A_34 : i32
        "tpu.region"() ({
          %run_scoped3A = tpu.sem_alloc : memref<!tpu.dma_semaphore, #tpu.memory_space<semaphore_mem>>
          %dma_start3A = arith.constant 0 : i32
          %dma_start3A_36 = tpu.memref_slice %arg4[%add3A_35, %dma_start3A] : memref<10240x128xf32, #tpu.memory_space<hbm>> -> memref<64x128xf32, #tpu.memory_space<hbm>>
          %dma_start3A_37 = arith.constant 0 : i32
          %dma_start3A_38 = tpu.memref_slice %arg4[%add3A_35, %dma_start3A_37] : memref<10240x128xf32, #tpu.memory_space<hbm>> -> memref<64x128xf32, #tpu.memory_space<hbm>>
          tpu.enqueue_dma source(%arg9 : memref<64x128xf32, #tpu.memory_space<vmem>>) target(%dma_start3A_38 : memref<64x128xf32, #tpu.memory_space<hbm>>) target_semaphore(%run_scoped3A : memref<!tpu.dma_semaphore, #tpu.memory_space<semaphore_mem>>)
          %dma_wait3A = arith.constant 0 : i32
          %dma_wait3A_39 = tpu.memref_slice %arg4[%add3A_35, %dma_wait3A] : memref<10240x128xf32, #tpu.memory_space<hbm>> -> memref<64x128xf32, #tpu.memory_space<hbm>>
          %dma_wait3A_40 = arith.constant 0 : i32
          %dma_wait3A_41 = tpu.memref_slice %arg4[%add3A_35, %dma_wait3A_40] : memref<10240x128xf32, #tpu.memory_space<hbm>> -> memref<64x128xf32, #tpu.memory_space<hbm>>
          tpu.wait_dma2 semaphore(%run_scoped3A : memref<!tpu.dma_semaphore, #tpu.memory_space<semaphore_mem>>) src(%arg9 : memref<64x128xf32, #tpu.memory_space<vmem>>) dst(%dma_wait3A_41 : memref<64x128xf32, #tpu.memory_space<hbm>>)
          tpu.yield
        }) : () -> ()
      } else {
      }
    }
    %scan3A_21 = arith.constant 5 : i32
    return
  }
}

#map = affine_map<(d0, d1) -> (0, 0)>
#map1 = affine_map<(d0, d1) -> (0, 0, 0)>
#map2 = affine_map<(d0, d1) -> (0, 0, 0, 0)>
module attributes {stable_mosaic.version = 14 : i64} {
  func.func @k(%arg0: i32, %arg1: i32, %arg2: memref<10240x128xf32, #tpu.memory_space<hbm>>, %arg3: memref<16x160x128xi32, #tpu.memory_space<hbm>>, %arg4: memref<2x16x160x128xi32, #tpu.memory_space<hbm>>, %arg5: memref<10240x128xf32, #tpu.memory_space<hbm>>, %arg6: memref<160x128xi32, #tpu.memory_space<vmem>>, %arg7: memref<160x128xi32, #tpu.memory_space<vmem>>, %arg8: memref<128xi32, #tpu.memory_space<vmem>>, %arg9: memref<128xi32, #tpu.memory_space<vmem>>, %arg10: memref<128x128xf32, #tpu.memory_space<vmem>>, %arg11: memref<128x128xf32, #tpu.memory_space<vmem>>, %arg12: memref<64x128xf32, #tpu.memory_space<vmem>>, %arg13: memref<64x128xf32, #tpu.memory_space<vmem>>, %arg14: memref<5072x128xf32, #tpu.memory_space<vmem_shared>>, %arg15: memref<!tpu.dma_semaphore, #tpu.memory_space<semaphore_mem>>, %arg16: memref<!tpu.dma_semaphore, #tpu.memory_space<semaphore_mem>>, %arg17: memref<!tpu.dma_semaphore, #tpu.memory_space<semaphore_mem>>, %arg18: memref<!tpu.dma_semaphore, #tpu.memory_space<semaphore_mem>>) attributes {dimension_semantics = [#tpu.dimension_semantics<core_parallel>, #tpu.dimension_semantics<subcore_parallel>], iteration_bounds = array<i64: 2, 16>, scalar_prefetch = 0 : i64, scratch_operands = 13 : i64, tpu.core_type = #tpu.core_type<sc_vector_subcore>, window_params = [{transform_indices = #map}, {transform_indices = #map1}, {transform_indices = #map2}, {transform_indices = #map}]} {
    %mul3A = arith.constant 5056 : i32
    %mul3A_0 = arith.muli %arg0, %mul3A : i32
    "tpu.region"() ({
      %run_scoped3A = tpu.sem_alloc : memref<!tpu.dma_semaphore, #tpu.memory_space<semaphore_mem>>
      %dma_start3A_46 = arith.constant 0 : i32
      %dma_start3A_47 = arith.constant 0 : i32
      %dma_start3A_48 = tpu.memref_slice %arg3[%arg1, %dma_start3A_46, %dma_start3A_47] : memref<16x160x128xi32, #tpu.memory_space<hbm>> -> memref<1x160x128xi32, #tpu.memory_space<hbm>>
      %dma_start3A_49 = tpu.memref_squeeze %dma_start3A_48 : memref<1x160x128xi32, #tpu.memory_space<hbm>> -> memref<160x128xi32, #tpu.memory_space<hbm>>
      %dma_start3A_50 = arith.constant 0 : i32
      %dma_start3A_51 = arith.constant 0 : i32
      %dma_start3A_52 = tpu.memref_slice %arg3[%arg1, %dma_start3A_50, %dma_start3A_51] : memref<16x160x128xi32, #tpu.memory_space<hbm>> -> memref<1x160x128xi32, #tpu.memory_space<hbm>>
      %dma_start3A_53 = tpu.memref_squeeze %dma_start3A_52 : memref<1x160x128xi32, #tpu.memory_space<hbm>> -> memref<160x128xi32, #tpu.memory_space<hbm>>
      tpu.enqueue_dma source(%dma_start3A_53 : memref<160x128xi32, #tpu.memory_space<hbm>>) target(%arg6 : memref<160x128xi32, #tpu.memory_space<vmem>>) target_semaphore(%run_scoped3A : memref<!tpu.dma_semaphore, #tpu.memory_space<semaphore_mem>>)
      %dma_wait3A_54 = arith.constant 0 : i32
      %dma_wait3A_55 = arith.constant 0 : i32
      %dma_wait3A_56 = tpu.memref_slice %arg3[%arg1, %dma_wait3A_54, %dma_wait3A_55] : memref<16x160x128xi32, #tpu.memory_space<hbm>> -> memref<1x160x128xi32, #tpu.memory_space<hbm>>
      %dma_wait3A_57 = tpu.memref_squeeze %dma_wait3A_56 : memref<1x160x128xi32, #tpu.memory_space<hbm>> -> memref<160x128xi32, #tpu.memory_space<hbm>>
      %dma_wait3A_58 = arith.constant 0 : i32
      %dma_wait3A_59 = arith.constant 0 : i32
      %dma_wait3A_60 = tpu.memref_slice %arg3[%arg1, %dma_wait3A_58, %dma_wait3A_59] : memref<16x160x128xi32, #tpu.memory_space<hbm>> -> memref<1x160x128xi32, #tpu.memory_space<hbm>>
      %dma_wait3A_61 = tpu.memref_squeeze %dma_wait3A_60 : memref<1x160x128xi32, #tpu.memory_space<hbm>> -> memref<160x128xi32, #tpu.memory_space<hbm>>
      tpu.wait_dma2 semaphore(%run_scoped3A : memref<!tpu.dma_semaphore, #tpu.memory_space<semaphore_mem>>) src(%dma_wait3A_61 : memref<160x128xi32, #tpu.memory_space<hbm>>) dst(%arg6 : memref<160x128xi32, #tpu.memory_space<vmem>>)
      tpu.yield
    }) : () -> ()
    "tpu.region"() ({
      %run_scoped3A = tpu.sem_alloc : memref<!tpu.dma_semaphore, #tpu.memory_space<semaphore_mem>>
      %dma_start3A_46 = arith.constant 0 : i32
      %dma_start3A_47 = arith.constant 0 : i32
      %dma_start3A_48 = tpu.memref_slice %arg4[%arg0, %arg1, %dma_start3A_46, %dma_start3A_47] : memref<2x16x160x128xi32, #tpu.memory_space<hbm>> -> memref<1x1x160x128xi32, #tpu.memory_space<hbm>>
      %dma_start3A_49 = tpu.memref_squeeze %dma_start3A_48 : memref<1x1x160x128xi32, #tpu.memory_space<hbm>> -> memref<160x128xi32, #tpu.memory_space<hbm>>
      %dma_start3A_50 = arith.constant 0 : i32
      %dma_start3A_51 = arith.constant 0 : i32
      %dma_start3A_52 = tpu.memref_slice %arg4[%arg0, %arg1, %dma_start3A_50, %dma_start3A_51] : memref<2x16x160x128xi32, #tpu.memory_space<hbm>> -> memref<1x1x160x128xi32, #tpu.memory_space<hbm>>
      %dma_start3A_53 = tpu.memref_squeeze %dma_start3A_52 : memref<1x1x160x128xi32, #tpu.memory_space<hbm>> -> memref<160x128xi32, #tpu.memory_space<hbm>>
      tpu.enqueue_dma source(%dma_start3A_53 : memref<160x128xi32, #tpu.memory_space<hbm>>) target(%arg7 : memref<160x128xi32, #tpu.memory_space<vmem>>) target_semaphore(%run_scoped3A : memref<!tpu.dma_semaphore, #tpu.memory_space<semaphore_mem>>)
      %dma_wait3A_54 = arith.constant 0 : i32
      %dma_wait3A_55 = arith.constant 0 : i32
      %dma_wait3A_56 = tpu.memref_slice %arg4[%arg0, %arg1, %dma_wait3A_54, %dma_wait3A_55] : memref<2x16x160x128xi32, #tpu.memory_space<hbm>> -> memref<1x1x160x128xi32, #tpu.memory_space<hbm>>
      %dma_wait3A_57 = tpu.memref_squeeze %dma_wait3A_56 : memref<1x1x160x128xi32, #tpu.memory_space<hbm>> -> memref<160x128xi32, #tpu.memory_space<hbm>>
      %dma_wait3A_58 = arith.constant 0 : i32
      %dma_wait3A_59 = arith.constant 0 : i32
      %dma_wait3A_60 = tpu.memref_slice %arg4[%arg0, %arg1, %dma_wait3A_58, %dma_wait3A_59] : memref<2x16x160x128xi32, #tpu.memory_space<hbm>> -> memref<1x1x160x128xi32, #tpu.memory_space<hbm>>
      %dma_wait3A_61 = tpu.memref_squeeze %dma_wait3A_60 : memref<1x1x160x128xi32, #tpu.memory_space<hbm>> -> memref<160x128xi32, #tpu.memory_space<hbm>>
      tpu.wait_dma2 semaphore(%run_scoped3A : memref<!tpu.dma_semaphore, #tpu.memory_space<semaphore_mem>>) src(%dma_wait3A_61 : memref<160x128xi32, #tpu.memory_space<hbm>>) dst(%arg7 : memref<160x128xi32, #tpu.memory_space<vmem>>)
      tpu.yield
    }) : () -> ()
    %broadcast_in_dim3A = arith.constant 0.000000e+00 : f32
    %broadcast_in_dim3A_1 = vector.broadcast %broadcast_in_dim3A : f32 to vector<16xf32>
    %scan3A = arith.constant 0 : i32
    %scan3A_2 = arith.constant 64 : i32
    %scan3A_3 = arith.addi %scan3A, %scan3A_2 : i32
    %scan3A_4 = arith.constant 1 : i32
    scf.for %scan3A_46 = %scan3A to %scan3A_3 step %scan3A_4  : i32 {
      %mul3A_47 = arith.constant 1 : i32
      %mul3A_48 = arith.muli %scan3A_46, %mul3A_47 : i32
      %add3A = arith.constant 0 : i32
      %add3A_49 = arith.addi %add3A, %mul3A_48 : i32
      %scan3A_50 = arith.constant 0 : i32
      %scan3A_51 = arith.constant 8 : i32
      %scan3A_52 = arith.addi %scan3A_50, %scan3A_51 : i32
      %scan3A_53 = arith.constant 1 : i32
      scf.for %scan3A_55 = %scan3A_50 to %scan3A_52 step %scan3A_53  : i32 {
        %mul3A_56 = arith.constant 16 : i32
        %mul3A_57 = arith.muli %scan3A_55, %mul3A_56 : i32
        %add3A_58 = arith.constant 0 : i32
        %add3A_59 = arith.addi %add3A_58, %mul3A_57 : i32
        %swap3A = arith.index_cast %add3A_49 : i32 to index
        %swap3A_60 = arith.index_cast %add3A_59 : i32 to index
        %swap3A_61 = tpu.vector_load %arg12[%swap3A, %swap3A_60] {strides = array<i32>} : memref<64x128xf32, #tpu.memory_space<vmem>>, vector<16xf32>,
        tpu.vector_store %arg12[%swap3A, %swap3A_60], %broadcast_in_dim3A_1 {strides = array<i32>} : memref<64x128xf32, #tpu.memory_space<vmem>>, vector<16xf32>,
      }
      %scan3A_54 = arith.constant 8 : i32
    }
    %scan3A_5 = arith.constant 64 : i32
    %scan3A_6 = arith.constant 0 : i32
    %scan3A_7 = arith.constant 5 : i32
    %scan3A_8 = arith.addi %scan3A_6, %scan3A_7 : i32
    %scan3A_9 = arith.constant 1 : i32
    scf.for %scan3A_46 = %scan3A_6 to %scan3A_8 step %scan3A_9  : i32 {
      %mul3A_47 = arith.constant 1 : i32
      %mul3A_48 = arith.muli %scan3A_46, %mul3A_47 : i32
      %add3A = arith.constant 0 : i32
      %add3A_49 = arith.addi %add3A, %mul3A_48 : i32
      %mul3A_50 = arith.constant 16 : i32
      %mul3A_51 = arith.muli %add3A_49, %mul3A_50 : i32
      %add3A_52 = arith.addi %mul3A_51, %arg1 : i32
      %lt3A = arith.constant 79 : i32
      %lt3A_53 = arith.cmpi slt, %add3A_52, %lt3A : i32
      %convert_element_type3A = arith.extui %lt3A_53 : i1 to i32
      %cond3A = arith.constant 0 : i32
      %cond3A_54 = arith.cmpi ne, %convert_element_type3A, %cond3A : i32
      scf.if %cond3A_54 {
        %mul3A_55 = arith.constant 64 : i32
        %mul3A_56 = arith.muli %add3A_52, %mul3A_55 : i32
        "tpu.region"() ({
          %run_scoped3A = tpu.sem_alloc : memref<!tpu.dma_semaphore, #tpu.memory_space<semaphore_mem>>
          %dma_start3A_57 = arith.constant 0 : i32
          %dma_start3A_58 = tpu.memref_slice %arg14[%mul3A_56, %dma_start3A_57] : memref<5072x128xf32, #tpu.memory_space<vmem_shared>> -> memref<64x128xf32, #tpu.memory_space<vmem_shared>>
          %dma_start3A_59 = arith.constant 0 : i32
          %dma_start3A_60 = tpu.memref_slice %arg14[%mul3A_56, %dma_start3A_59] : memref<5072x128xf32, #tpu.memory_space<vmem_shared>> -> memref<64x128xf32, #tpu.memory_space<vmem_shared>>
          tpu.enqueue_dma source(%arg12 : memref<64x128xf32, #tpu.memory_space<vmem>>) target(%dma_start3A_60 : memref<64x128xf32, #tpu.memory_space<vmem_shared>>) target_semaphore(%run_scoped3A : memref<!tpu.dma_semaphore, #tpu.memory_space<semaphore_mem>>)
          %dma_wait3A_61 = arith.constant 0 : i32
          %dma_wait3A_62 = tpu.memref_slice %arg14[%mul3A_56, %dma_wait3A_61] : memref<5072x128xf32, #tpu.memory_space<vmem_shared>> -> memref<64x128xf32, #tpu.memory_space<vmem_shared>>
          %dma_wait3A_63 = arith.constant 0 : i32
          %dma_wait3A_64 = tpu.memref_slice %arg14[%mul3A_56, %dma_wait3A_63] : memref<5072x128xf32, #tpu.memory_space<vmem_shared>> -> memref<64x128xf32, #tpu.memory_space<vmem_shared>>
          tpu.wait_dma2 semaphore(%run_scoped3A : memref<!tpu.dma_semaphore, #tpu.memory_space<semaphore_mem>>) src(%arg12 : memref<64x128xf32, #tpu.memory_space<vmem>>) dst(%dma_wait3A_64 : memref<64x128xf32, #tpu.memory_space<vmem_shared>>)
          tpu.yield
        }) : () -> ()
      } else {
      }
    }
    %scan3A_10 = arith.constant 5 : i32
    %barrier3A = arith.constant 0 : index
    tpu.barrier barrier_id(%barrier3A)
    %dma_start3A = arith.constant 0 : i32
    %dma_start3A_11 = arith.constant 0 : i32
    %dma_start3A_12 = tpu.memref_slice %arg6[%dma_start3A, %dma_start3A_11] : memref<160x128xi32, #tpu.memory_space<vmem>> -> memref<1x128xi32, #tpu.memory_space<vmem>>
    %dma_start3A_13 = tpu.memref_squeeze %dma_start3A_12 : memref<1x128xi32, #tpu.memory_space<vmem>> -> memref<128xi32, #tpu.memory_space<vmem>>
    %dma_start3A_14 = arith.constant 0 : i32
    %dma_start3A_15 = arith.constant 0 : i32
    %dma_start3A_16 = tpu.memref_slice %arg2[%dma_start3A_14, %dma_start3A_15] : memref<10240x128xf32, #tpu.memory_space<hbm>> -> memref<10240x128xf32, #tpu.memory_space<hbm>>
    tpu.enqueue_indirect_dma source(%dma_start3A_16 : memref<10240x128xf32, #tpu.memory_space<hbm>>) target(%arg10 : memref<128x128xf32, #tpu.memory_space<vmem>>) offsets(%dma_start3A_13 : memref<128xi32, #tpu.memory_space<vmem>>) semaphore(%arg15 : memref<!tpu.dma_semaphore, #tpu.memory_space<semaphore_mem>>)
    %dma_start3A_17 = arith.constant 1 : i32
    %dma_start3A_18 = arith.constant 0 : i32
    %dma_start3A_19 = tpu.memref_slice %arg6[%dma_start3A_17, %dma_start3A_18] : memref<160x128xi32, #tpu.memory_space<vmem>> -> memref<1x128xi32, #tpu.memory_space<vmem>>
    %dma_start3A_20 = tpu.memref_squeeze %dma_start3A_19 : memref<1x128xi32, #tpu.memory_space<vmem>> -> memref<128xi32, #tpu.memory_space<vmem>>
    %dma_start3A_21 = arith.constant 0 : i32
    %dma_start3A_22 = arith.constant 0 : i32
    %dma_start3A_23 = tpu.memref_slice %arg2[%dma_start3A_21, %dma_start3A_22] : memref<10240x128xf32, #tpu.memory_space<hbm>> -> memref<10240x128xf32, #tpu.memory_space<hbm>>
    tpu.enqueue_indirect_dma source(%dma_start3A_23 : memref<10240x128xf32, #tpu.memory_space<hbm>>) target(%arg11 : memref<128x128xf32, #tpu.memory_space<vmem>>) offsets(%dma_start3A_20 : memref<128xi32, #tpu.memory_space<vmem>>) semaphore(%arg16 : memref<!tpu.dma_semaphore, #tpu.memory_space<semaphore_mem>>)
    %scan3A_24 = arith.constant 0 : i32
    %scan3A_25 = arith.constant 80 : i32
    %scan3A_26 = arith.addi %scan3A_24, %scan3A_25 : i32
    %scan3A_27 = arith.constant 1 : i32
    scf.for %scan3A_46 = %scan3A_24 to %scan3A_26 step %scan3A_27  : i32 {
      %mul3A_47 = arith.constant 2 : i32
      %mul3A_48 = arith.muli %scan3A_46, %mul3A_47 : i32
      %add3A = arith.constant 0 : i32
      %add3A_49 = arith.addi %add3A, %mul3A_48 : i32
      %dma_wait3A_50 = arith.constant 0 : i32
      %dma_wait3A_51 = arith.constant 0 : i32
      %dma_wait3A_52 = tpu.memref_slice %arg2[%dma_wait3A_50, %dma_wait3A_51] : memref<10240x128xf32, #tpu.memory_space<hbm>> -> memref<128x128xf32, #tpu.memory_space<hbm>>
      %dma_wait3A_53 = arith.constant 0 : i32
      %dma_wait3A_54 = arith.constant 0 : i32
      %dma_wait3A_55 = tpu.memref_slice %arg2[%dma_wait3A_53, %dma_wait3A_54] : memref<10240x128xf32, #tpu.memory_space<hbm>> -> memref<128x128xf32, #tpu.memory_space<hbm>>
      tpu.wait_dma2 semaphore(%arg15 : memref<!tpu.dma_semaphore, #tpu.memory_space<semaphore_mem>>) src(%dma_wait3A_55 : memref<128x128xf32, #tpu.memory_space<hbm>>) dst(%arg10 : memref<128x128xf32, #tpu.memory_space<vmem>>)
      %scan3A_56 = arith.constant 0 : i32
      %scan3A_57 = arith.constant 8 : i32
      %scan3A_58 = arith.addi %scan3A_56, %scan3A_57 : i32
      %scan3A_59 = arith.constant 1 : i32
      scf.for %scan3A_89 = %scan3A_56 to %scan3A_58 step %scan3A_59  : i32 {
        %mul3A_90 = arith.constant 16 : i32
        %mul3A_91 = arith.muli %scan3A_89, %mul3A_90 : i32
        %add3A_92 = arith.constant 0 : i32
        %add3A_93 = arith.addi %add3A_92, %mul3A_91 : i32
        %get3A = arith.index_cast %add3A_49 : i32 to index
        %get3A_94 = arith.index_cast %add3A_93 : i32 to index
        %get3A_95 = tpu.vector_load %arg7[%get3A, %get3A_94] {strides = array<i32>} : memref<160x128xi32, #tpu.memory_space<vmem>>, vector<16xi32>,
        %swap3A = arith.index_cast %add3A_93 : i32 to index
        %swap3A_96 = tpu.vector_load %arg8[%swap3A] {strides = array<i32>} : memref<128xi32, #tpu.memory_space<vmem>>, vector<16xi32>,
        tpu.vector_store %arg8[%swap3A], %get3A_95 {strides = array<i32>} : memref<128xi32, #tpu.memory_space<vmem>>, vector<16xi32>,
      }
      %scan3A_60 = arith.constant 8 : i32
      %dma_start3A_61 = arith.constant 0 : i32
      %dma_start3A_62 = arith.constant 0 : i32
      %dma_start3A_63 = tpu.memref_slice %arg14[%dma_start3A_61, %dma_start3A_62] : memref<5072x128xf32, #tpu.memory_space<vmem_shared>> -> memref<5072x128xf32, #tpu.memory_space<vmem_shared>>
      tpu.enqueue_indirect_dma source(%arg10 : memref<128x128xf32, #tpu.memory_space<vmem>>) target(%dma_start3A_63 : memref<5072x128xf32, #tpu.memory_space<vmem_shared>>) offsets(%arg8 : memref<128xi32, #tpu.memory_space<vmem>>) semaphore(%arg17 : memref<!tpu.dma_semaphore, #tpu.memory_space<semaphore_mem>>) {add = true}
      %dma_wait3A_64 = arith.constant 0 : i32
      %dma_wait3A_65 = arith.constant 0 : i32
      %dma_wait3A_66 = tpu.memref_slice %arg2[%dma_wait3A_64, %dma_wait3A_65] : memref<10240x128xf32, #tpu.memory_space<hbm>> -> memref<128x128xf32, #tpu.memory_space<hbm>>
      %dma_wait3A_67 = arith.constant 0 : i32
      %dma_wait3A_68 = arith.constant 0 : i32
      %dma_wait3A_69 = tpu.memref_slice %arg2[%dma_wait3A_67, %dma_wait3A_68] : memref<10240x128xf32, #tpu.memory_space<hbm>> -> memref<128x128xf32, #tpu.memory_space<hbm>>
      tpu.wait_dma2 semaphore(%arg16 : memref<!tpu.dma_semaphore, #tpu.memory_space<semaphore_mem>>) src(%dma_wait3A_69 : memref<128x128xf32, #tpu.memory_space<hbm>>) dst(%arg11 : memref<128x128xf32, #tpu.memory_space<vmem>>)
      %scan3A_70 = arith.constant 0 : i32
      %scan3A_71 = arith.constant 8 : i32
      %scan3A_72 = arith.addi %scan3A_70, %scan3A_71 : i32
      %scan3A_73 = arith.constant 1 : i32
      scf.for %scan3A_89 = %scan3A_70 to %scan3A_72 step %scan3A_73  : i32 {
        %mul3A_90 = arith.constant 16 : i32
        %mul3A_91 = arith.muli %scan3A_89, %mul3A_90 : i32
        %add3A_92 = arith.constant 0 : i32
        %add3A_93 = arith.addi %add3A_92, %mul3A_91 : i32
        %add3A_94 = arith.constant 1 : i32
        %add3A_95 = arith.addi %add3A_49, %add3A_94 : i32
        %get3A = arith.index_cast %add3A_95 : i32 to index
        %get3A_96 = arith.index_cast %add3A_93 : i32 to index
        %get3A_97 = tpu.vector_load %arg7[%get3A, %get3A_96] {strides = array<i32>} : memref<160x128xi32, #tpu.memory_space<vmem>>, vector<16xi32>,
        %swap3A = arith.index_cast %add3A_93 : i32 to index
        %swap3A_98 = tpu.vector_load %arg9[%swap3A] {strides = array<i32>} : memref<128xi32, #tpu.memory_space<vmem>>, vector<16xi32>,
        tpu.vector_store %arg9[%swap3A], %get3A_97 {strides = array<i32>} : memref<128xi32, #tpu.memory_space<vmem>>, vector<16xi32>,
      }
      %scan3A_74 = arith.constant 8 : i32
      %dma_start3A_75 = arith.constant 0 : i32
      %dma_start3A_76 = arith.constant 0 : i32
      %dma_start3A_77 = tpu.memref_slice %arg14[%dma_start3A_75, %dma_start3A_76] : memref<5072x128xf32, #tpu.memory_space<vmem_shared>> -> memref<5072x128xf32, #tpu.memory_space<vmem_shared>>
      tpu.enqueue_indirect_dma source(%arg11 : memref<128x128xf32, #tpu.memory_space<vmem>>) target(%dma_start3A_77 : memref<5072x128xf32, #tpu.memory_space<vmem_shared>>) offsets(%arg9 : memref<128xi32, #tpu.memory_space<vmem>>) semaphore(%arg18 : memref<!tpu.dma_semaphore, #tpu.memory_space<semaphore_mem>>) {add = true}
      %add3A_78 = arith.constant 2 : i32
      %add3A_79 = arith.addi %add3A_49, %add3A_78 : i32
      %lt3A = arith.constant 160 : i32
      %lt3A_80 = arith.cmpi slt, %add3A_79, %lt3A : i32
      %convert_element_type3A = arith.extui %lt3A_80 : i1 to i32
      %cond3A = arith.constant 0 : i32
      %cond3A_81 = arith.cmpi ne, %convert_element_type3A, %cond3A : i32
      scf.if %cond3A_81 {
        %dma_wait3A_89 = arith.constant 0 : i32
        %dma_wait3A_90 = arith.constant 0 : i32
        %dma_wait3A_91 = tpu.memref_slice %arg2[%dma_wait3A_89, %dma_wait3A_90] : memref<10240x128xf32, #tpu.memory_space<hbm>> -> memref<128x128xf32, #tpu.memory_space<hbm>>
        %dma_wait3A_92 = arith.constant 0 : i32
        %dma_wait3A_93 = arith.constant 0 : i32
        %dma_wait3A_94 = tpu.memref_slice %arg2[%dma_wait3A_92, %dma_wait3A_93] : memref<10240x128xf32, #tpu.memory_space<hbm>> -> memref<128x128xf32, #tpu.memory_space<hbm>>
        tpu.wait_dma2 semaphore(%arg17 : memref<!tpu.dma_semaphore, #tpu.memory_space<semaphore_mem>>) src(%dma_wait3A_94 : memref<128x128xf32, #tpu.memory_space<hbm>>) dst(%arg10 : memref<128x128xf32, #tpu.memory_space<vmem>>)
        %add3A_95 = arith.constant 2 : i32
        %add3A_96 = arith.addi %add3A_49, %add3A_95 : i32
        %dma_start3A_97 = arith.constant 0 : i32
        %dma_start3A_98 = tpu.memref_slice %arg6[%add3A_96, %dma_start3A_97] : memref<160x128xi32, #tpu.memory_space<vmem>> -> memref<1x128xi32, #tpu.memory_space<vmem>>
        %dma_start3A_99 = tpu.memref_squeeze %dma_start3A_98 : memref<1x128xi32, #tpu.memory_space<vmem>> -> memref<128xi32, #tpu.memory_space<vmem>>
        %dma_start3A_100 = arith.constant 0 : i32
        %dma_start3A_101 = arith.constant 0 : i32
        %dma_start3A_102 = tpu.memref_slice %arg2[%dma_start3A_100, %dma_start3A_101] : memref<10240x128xf32, #tpu.memory_space<hbm>> -> memref<10240x128xf32, #tpu.memory_space<hbm>>
        tpu.enqueue_indirect_dma source(%dma_start3A_102 : memref<10240x128xf32, #tpu.memory_space<hbm>>) target(%arg10 : memref<128x128xf32, #tpu.memory_space<vmem>>) offsets(%dma_start3A_99 : memref<128xi32, #tpu.memory_space<vmem>>) semaphore(%arg15 : memref<!tpu.dma_semaphore, #tpu.memory_space<semaphore_mem>>)
      } else {
      }
      %add3A_82 = arith.constant 3 : i32
      %add3A_83 = arith.addi %add3A_49, %add3A_82 : i32
      %lt3A_84 = arith.constant 160 : i32
      %lt3A_85 = arith.cmpi slt, %add3A_83, %lt3A_84 : i32
      %convert_element_type3A_86 = arith.extui %lt3A_85 : i1 to i32
      %cond3A_87 = arith.constant 0 : i32
      %cond3A_88 = arith.cmpi ne, %convert_element_type3A_86, %cond3A_87 : i32
      scf.if %cond3A_88 {
        %dma_wait3A_89 = arith.constant 0 : i32
        %dma_wait3A_90 = arith.constant 0 : i32
        %dma_wait3A_91 = tpu.memref_slice %arg2[%dma_wait3A_89, %dma_wait3A_90] : memref<10240x128xf32, #tpu.memory_space<hbm>> -> memref<128x128xf32, #tpu.memory_space<hbm>>
        %dma_wait3A_92 = arith.constant 0 : i32
        %dma_wait3A_93 = arith.constant 0 : i32
        %dma_wait3A_94 = tpu.memref_slice %arg2[%dma_wait3A_92, %dma_wait3A_93] : memref<10240x128xf32, #tpu.memory_space<hbm>> -> memref<128x128xf32, #tpu.memory_space<hbm>>
        tpu.wait_dma2 semaphore(%arg18 : memref<!tpu.dma_semaphore, #tpu.memory_space<semaphore_mem>>) src(%dma_wait3A_94 : memref<128x128xf32, #tpu.memory_space<hbm>>) dst(%arg11 : memref<128x128xf32, #tpu.memory_space<vmem>>)
        %add3A_95 = arith.constant 3 : i32
        %add3A_96 = arith.addi %add3A_49, %add3A_95 : i32
        %dma_start3A_97 = arith.constant 0 : i32
        %dma_start3A_98 = tpu.memref_slice %arg6[%add3A_96, %dma_start3A_97] : memref<160x128xi32, #tpu.memory_space<vmem>> -> memref<1x128xi32, #tpu.memory_space<vmem>>
        %dma_start3A_99 = tpu.memref_squeeze %dma_start3A_98 : memref<1x128xi32, #tpu.memory_space<vmem>> -> memref<128xi32, #tpu.memory_space<vmem>>
        %dma_start3A_100 = arith.constant 0 : i32
        %dma_start3A_101 = arith.constant 0 : i32
        %dma_start3A_102 = tpu.memref_slice %arg2[%dma_start3A_100, %dma_start3A_101] : memref<10240x128xf32, #tpu.memory_space<hbm>> -> memref<10240x128xf32, #tpu.memory_space<hbm>>
        tpu.enqueue_indirect_dma source(%dma_start3A_102 : memref<10240x128xf32, #tpu.memory_space<hbm>>) target(%arg11 : memref<128x128xf32, #tpu.memory_space<vmem>>) offsets(%dma_start3A_99 : memref<128xi32, #tpu.memory_space<vmem>>) semaphore(%arg16 : memref<!tpu.dma_semaphore, #tpu.memory_space<semaphore_mem>>)
      } else {
      }
    }
    %scan3A_28 = arith.constant 80 : i32
    %dma_wait3A = arith.constant 0 : i32
    %dma_wait3A_29 = arith.constant 0 : i32
    %dma_wait3A_30 = tpu.memref_slice %arg2[%dma_wait3A, %dma_wait3A_29] : memref<10240x128xf32, #tpu.memory_space<hbm>> -> memref<128x128xf32, #tpu.memory_space<hbm>>
    %dma_wait3A_31 = arith.constant 0 : i32
    %dma_wait3A_32 = arith.constant 0 : i32
    %dma_wait3A_33 = tpu.memref_slice %arg2[%dma_wait3A_31, %dma_wait3A_32] : memref<10240x128xf32, #tpu.memory_space<hbm>> -> memref<128x128xf32, #tpu.memory_space<hbm>>
    tpu.wait_dma2 semaphore(%arg17 : memref<!tpu.dma_semaphore, #tpu.memory_space<semaphore_mem>>) src(%dma_wait3A_33 : memref<128x128xf32, #tpu.memory_space<hbm>>) dst(%arg10 : memref<128x128xf32, #tpu.memory_space<vmem>>)
    %dma_wait3A_34 = arith.constant 0 : i32
    %dma_wait3A_35 = arith.constant 0 : i32
    %dma_wait3A_36 = tpu.memref_slice %arg2[%dma_wait3A_34, %dma_wait3A_35] : memref<10240x128xf32, #tpu.memory_space<hbm>> -> memref<128x128xf32, #tpu.memory_space<hbm>>
    %dma_wait3A_37 = arith.constant 0 : i32
    %dma_wait3A_38 = arith.constant 0 : i32
    %dma_wait3A_39 = tpu.memref_slice %arg2[%dma_wait3A_37, %dma_wait3A_38] : memref<10240x128xf32, #tpu.memory_space<hbm>> -> memref<128x128xf32, #tpu.memory_space<hbm>>
    tpu.wait_dma2 semaphore(%arg18 : memref<!tpu.dma_semaphore, #tpu.memory_space<semaphore_mem>>) src(%dma_wait3A_39 : memref<128x128xf32, #tpu.memory_space<hbm>>) dst(%arg11 : memref<128x128xf32, #tpu.memory_space<vmem>>)
    %barrier3A_40 = arith.constant 0 : index
    tpu.barrier barrier_id(%barrier3A_40)
    %scan3A_41 = arith.constant 0 : i32
    %scan3A_42 = arith.constant 5 : i32
    %scan3A_43 = arith.addi %scan3A_41, %scan3A_42 : i32
    %scan3A_44 = arith.constant 1 : i32
    scf.for %scan3A_46 = %scan3A_41 to %scan3A_43 step %scan3A_44  : i32 {
      %mul3A_47 = arith.constant 1 : i32
      %mul3A_48 = arith.muli %scan3A_46, %mul3A_47 : i32
      %add3A = arith.constant 0 : i32
      %add3A_49 = arith.addi %add3A, %mul3A_48 : i32
      %mul3A_50 = arith.constant 16 : i32
      %mul3A_51 = arith.muli %add3A_49, %mul3A_50 : i32
      %add3A_52 = arith.addi %mul3A_51, %arg1 : i32
      %lt3A = arith.constant 79 : i32
      %lt3A_53 = arith.cmpi slt, %add3A_52, %lt3A : i32
      %convert_element_type3A = arith.extui %lt3A_53 : i1 to i32
      %cond3A = arith.constant 0 : i32
      %cond3A_54 = arith.cmpi ne, %convert_element_type3A, %cond3A : i32
      scf.if %cond3A_54 {
        %mul3A_55 = arith.constant 64 : i32
        %mul3A_56 = arith.muli %add3A_52, %mul3A_55 : i32
        "tpu.region"() ({
          %run_scoped3A = tpu.sem_alloc : memref<!tpu.dma_semaphore, #tpu.memory_space<semaphore_mem>>
          %dma_start3A_60 = arith.constant 0 : i32
          %dma_start3A_61 = tpu.memref_slice %arg14[%mul3A_56, %dma_start3A_60] : memref<5072x128xf32, #tpu.memory_space<vmem_shared>> -> memref<64x128xf32, #tpu.memory_space<vmem_shared>>
          %dma_start3A_62 = arith.constant 0 : i32
          %dma_start3A_63 = tpu.memref_slice %arg14[%mul3A_56, %dma_start3A_62] : memref<5072x128xf32, #tpu.memory_space<vmem_shared>> -> memref<64x128xf32, #tpu.memory_space<vmem_shared>>
          tpu.enqueue_dma source(%dma_start3A_63 : memref<64x128xf32, #tpu.memory_space<vmem_shared>>) target(%arg13 : memref<64x128xf32, #tpu.memory_space<vmem>>) target_semaphore(%run_scoped3A : memref<!tpu.dma_semaphore, #tpu.memory_space<semaphore_mem>>)
          %dma_wait3A_64 = arith.constant 0 : i32
          %dma_wait3A_65 = tpu.memref_slice %arg14[%mul3A_56, %dma_wait3A_64] : memref<5072x128xf32, #tpu.memory_space<vmem_shared>> -> memref<64x128xf32, #tpu.memory_space<vmem_shared>>
          %dma_wait3A_66 = arith.constant 0 : i32
          %dma_wait3A_67 = tpu.memref_slice %arg14[%mul3A_56, %dma_wait3A_66] : memref<5072x128xf32, #tpu.memory_space<vmem_shared>> -> memref<64x128xf32, #tpu.memory_space<vmem_shared>>
          tpu.wait_dma2 semaphore(%run_scoped3A : memref<!tpu.dma_semaphore, #tpu.memory_space<semaphore_mem>>) src(%dma_wait3A_67 : memref<64x128xf32, #tpu.memory_space<vmem_shared>>) dst(%arg13 : memref<64x128xf32, #tpu.memory_space<vmem>>)
          tpu.yield
        }) : () -> ()
        %mul3A_57 = arith.constant 64 : i32
        %mul3A_58 = arith.muli %add3A_52, %mul3A_57 : i32
        %add3A_59 = arith.addi %mul3A_0, %mul3A_58 : i32
        "tpu.region"() ({
          %run_scoped3A = tpu.sem_alloc : memref<!tpu.dma_semaphore, #tpu.memory_space<semaphore_mem>>
          %dma_start3A_60 = arith.constant 0 : i32
          %dma_start3A_61 = tpu.memref_slice %arg5[%add3A_59, %dma_start3A_60] : memref<10240x128xf32, #tpu.memory_space<hbm>> -> memref<64x128xf32, #tpu.memory_space<hbm>>
          %dma_start3A_62 = arith.constant 0 : i32
          %dma_start3A_63 = tpu.memref_slice %arg5[%add3A_59, %dma_start3A_62] : memref<10240x128xf32, #tpu.memory_space<hbm>> -> memref<64x128xf32, #tpu.memory_space<hbm>>
          tpu.enqueue_dma source(%arg13 : memref<64x128xf32, #tpu.memory_space<vmem>>) target(%dma_start3A_63 : memref<64x128xf32, #tpu.memory_space<hbm>>) target_semaphore(%run_scoped3A : memref<!tpu.dma_semaphore, #tpu.memory_space<semaphore_mem>>)
          %dma_wait3A_64 = arith.constant 0 : i32
          %dma_wait3A_65 = tpu.memref_slice %arg5[%add3A_59, %dma_wait3A_64] : memref<10240x128xf32, #tpu.memory_space<hbm>> -> memref<64x128xf32, #tpu.memory_space<hbm>>
          %dma_wait3A_66 = arith.constant 0 : i32
          %dma_wait3A_67 = tpu.memref_slice %arg5[%add3A_59, %dma_wait3A_66] : memref<10240x128xf32, #tpu.memory_space<hbm>> -> memref<64x128xf32, #tpu.memory_space<hbm>>
          tpu.wait_dma2 semaphore(%run_scoped3A : memref<!tpu.dma_semaphore, #tpu.memory_space<semaphore_mem>>) src(%arg13 : memref<64x128xf32, #tpu.memory_space<vmem>>) dst(%dma_wait3A_67 : memref<64x128xf32, #tpu.memory_space<hbm>>)
          tpu.yield
        }) : () -> ()
      } else {
      }
    }
    %scan3A_45 = arith.constant 5 : i32
    return
  }
}

module attributes {stable_mosaic.version = 14 : i64} {
  func.func @body(%arg0: i32, %arg1: memref<1024x128xf32, #tpu.memory_space<vmem>>, %arg2: memref<1024x128xf32, #tpu.memory_space<vmem>>, %arg3: memref<128x128xf32, #tpu.memory_space<vmem>>, %arg4: memref<1024x128xf32, #tpu.memory_space<vmem>>, %arg5: memref<1024xf32, #tpu.memory_space<vmem>>) attributes {dimension_semantics = [#tpu.dimension_semantics<arbitrary>], iteration_bounds = array<i64: 10>, scalar_prefetch = 0 : i64, scratch_operands = 0 : i64, tpu.core_type = #tpu.core_type<tc>, window_params = [{transform_indices = @transform_0, window_bounds = array<i64: 1024, 128>}, {transform_indices = @transform_1, window_bounds = array<i64: 1024, 128>}, {pipeline_mode = #tpu.pipeline_mode<synchronous>, transform_indices = @transform_2, window_bounds = array<i64: 128, 128>}, {transform_indices = @transform_3, window_bounds = array<i64: 1024, 128>}, {transform_indices = @transform_4, window_bounds = array<i64: 1024>}]} {
    %get3A = arith.constant 0 : index
    %get3A_0 = arith.constant 0 : index
    %get3A_1 = vector.load %arg1[%get3A, %get3A_0] : memref<1024x128xf32, #tpu.memory_space<vmem>>, vector<1024x128xf32>
    %slice3A = vector.extract_strided_slice %get3A_1 {offsets = [0, 0], sizes = [1024, 1], strides = [1, 1]} : vector<1024x128xf32> to vector<1024x1xf32>
    %squeeze3A = vector.shape_cast %slice3A : vector<1024x1xf32> to vector<1024xf32>
    %add3A = arith.constant 1.000000e+00 : f32
    %add3A_2 = vector.broadcast %add3A : f32 to vector<1024xf32>
    %add3A_3 = arith.addf %squeeze3A, %add3A_2 : vector<1024xf32>
    %rsqrt3A = math.rsqrt %add3A_3 : vector<1024xf32>
    %get3A_4 = arith.constant 0 : index
    %get3A_5 = arith.constant 0 : index
    %get3A_6 = vector.load %arg2[%get3A_4, %get3A_5] : memref<1024x128xf32, #tpu.memory_space<vmem>>, vector<1024x128xf32>
    %get3A_7 = arith.constant 0 : index
    %get3A_8 = arith.constant 0 : index
    %get3A_9 = vector.load %arg3[%get3A_7, %get3A_8] : memref<128x128xf32, #tpu.memory_space<vmem>>, vector<128x128xf32>
    %dot_general3A = arith.constant dense<0.000000e+00> : vector<1024x128xf32>
    %dot_general3A_10 = tpu.matmul %get3A_6, %get3A_9, %dot_general3A {dimension_numbers = #tpu.dot_dimension_numbers<[1], [0], [0], [1], [0, 0, 1, 1], [], []>, transpose_lhs_hint = false} : vector<1024x128xf32>, vector<128x128xf32>, vector<1024x128xf32> -> vector<1024x128xf32>
    %broadcast_in_dim3A = vector.shape_cast %rsqrt3A : vector<1024xf32> to vector<1024x1xf32>
    %mul3A = vector.broadcast %broadcast_in_dim3A : vector<1024x1xf32> to vector<1024x128xf32>
    %mul3A_11 = arith.mulf %dot_general3A_10, %mul3A : vector<1024x128xf32>
    %swap3A = arith.constant 0 : index
    %swap3A_12 = arith.constant 0 : index
    %swap3A_13 = vector.load %arg4[%swap3A, %swap3A_12] : memref<1024x128xf32, #tpu.memory_space<vmem>>, vector<1024x128xf32>
    tpu.vector_store %arg4[%swap3A, %swap3A_12], %mul3A_11 {strides = array<i32>} : memref<1024x128xf32, #tpu.memory_space<vmem>>, vector<1024x128xf32>,
    %swap3A_14 = arith.constant 0 : index
    %swap3A_15 = vector.load %arg5[%swap3A_14] : memref<1024xf32, #tpu.memory_space<vmem>>, vector<1024xf32>
    tpu.vector_store %arg5[%swap3A_14], %rsqrt3A {strides = array<i32>} : memref<1024xf32, #tpu.memory_space<vmem>>, vector<1024xf32>,
    return
  }
  func.func @transform_0(%arg0: i32) -> (i32, i32) {
    %c0_i32 = arith.constant 0 : i32
    %c0_i32_0 = arith.constant 0 : i32
    return %arg0, %c0_i32 : i32, i32
  }
  func.func @transform_1(%arg0: i32) -> (i32, i32) {
    %c0_i32 = arith.constant 0 : i32
    %c0_i32_0 = arith.constant 0 : i32
    return %arg0, %c0_i32 : i32, i32
  }
  func.func @transform_2(%arg0: i32) -> (i32, i32) {
    %c0_i32 = arith.constant 0 : i32
    %c0_i32_0 = arith.constant 0 : i32
    %c0_i32_1 = arith.constant 0 : i32
    return %c0_i32, %c0_i32_0 : i32, i32
  }
  func.func @transform_3(%arg0: i32) -> (i32, i32) {
    %c0_i32 = arith.constant 0 : i32
    %c0_i32_0 = arith.constant 0 : i32
    return %arg0, %c0_i32 : i32, i32
  }
  func.func @transform_4(%arg0: i32) -> i32 {
    %c0_i32 = arith.constant 0 : i32
    return %arg0 : i32
  }
}

module attributes {stable_mosaic.version = 14 : i64} {
  func.func @body(%arg0: i32, %arg1: memref<1024x128xf32, #tpu.memory_space<vmem>>, %arg2: memref<1024x128xf32, #tpu.memory_space<vmem>>, %arg3: memref<1024xf32, #tpu.memory_space<vmem>>, %arg4: memref<128xf32, #tpu.memory_space<vmem>>, %arg5: memref<128x64xf32, #tpu.memory_space<vmem>>, %arg6: memref<1024x128xf32, #tpu.memory_space<vmem>>, %arg7: memref<1024x128xf32, #tpu.memory_space<vmem>>) attributes {dimension_semantics = [#tpu.dimension_semantics<arbitrary>], iteration_bounds = array<i64: 10>, scalar_prefetch = 0 : i64, scratch_operands = 0 : i64, tpu.core_type = #tpu.core_type<tc>, window_params = [{transform_indices = @transform_0, window_bounds = array<i64: 1024, 128>}, {transform_indices = @transform_1, window_bounds = array<i64: 1024, 128>}, {transform_indices = @transform_2, window_bounds = array<i64: 1024>}, {pipeline_mode = #tpu.pipeline_mode<synchronous>, transform_indices = @transform_3, window_bounds = array<i64: 128>}, {pipeline_mode = #tpu.pipeline_mode<synchronous>, transform_indices = @transform_4, window_bounds = array<i64: 128, 64>}, {transform_indices = @transform_5, window_bounds = array<i64: 1024, 128>}, {transform_indices = @transform_6, window_bounds = array<i64: 1024, 128>}]} {
    %get3A = arith.constant 0 : index
    %get3A_0 = vector.load %arg3[%get3A] : memref<1024xf32, #tpu.memory_space<vmem>>, vector<1024xf32>
    %broadcast_in_dim3A = vector.shape_cast %get3A_0 : vector<1024xf32> to vector<1024x1xf32>
    %get3A_1 = arith.constant 0 : index
    %get3A_2 = arith.constant 0 : index
    %get3A_3 = vector.load %arg1[%get3A_1, %get3A_2] : memref<1024x128xf32, #tpu.memory_space<vmem>>, vector<1024x128xf32>
    %get3A_4 = arith.constant 0 : index
    %get3A_5 = arith.constant 0 : index
    %get3A_6 = vector.load %arg2[%get3A_4, %get3A_5] : memref<1024x128xf32, #tpu.memory_space<vmem>>, vector<1024x128xf32>
    %add3A = arith.addf %get3A_3, %get3A_6 : vector<1024x128xf32>
    %mul3A = vector.broadcast %broadcast_in_dim3A : vector<1024x1xf32> to vector<1024x128xf32>
    %mul3A_7 = arith.mulf %add3A, %mul3A : vector<1024x128xf32>
    %get3A_8 = arith.constant 0 : index
    %get3A_9 = vector.load %arg4[%get3A_8] : memref<128xf32, #tpu.memory_space<vmem>>, vector<128xf32>
    %broadcast_in_dim3A_10 = vector.shape_cast %get3A_9 : vector<128xf32> to vector<1x128xf32>
    %add3A_11 = vector.broadcast %broadcast_in_dim3A_10 : vector<1x128xf32> to vector<1024x128xf32>
    %add3A_12 = arith.addf %mul3A_7, %add3A_11 : vector<1024x128xf32>
    %max3A = arith.constant 0.000000e+00 : f32
    %max3A_13 = vector.broadcast %max3A : f32 to vector<1024x128xf32>
    %max3A_14 = arith.maximumf %add3A_12, %max3A_13 : vector<1024x128xf32>
    %swap3A = arith.constant 0 : index
    %swap3A_15 = arith.constant 0 : index
    %swap3A_16 = vector.load %arg6[%swap3A, %swap3A_15] : memref<1024x128xf32, #tpu.memory_space<vmem>>, vector<1024x128xf32>
    tpu.vector_store %arg6[%swap3A, %swap3A_15], %max3A_14 {strides = array<i32>} : memref<1024x128xf32, #tpu.memory_space<vmem>>, vector<1024x128xf32>,
    %get3A_17 = arith.constant 0 : index
    %get3A_18 = arith.constant 0 : index
    %get3A_19 = vector.load %arg5[%get3A_17, %get3A_18] : memref<128x64xf32, #tpu.memory_space<vmem>>, vector<128x64xf32>
    %dot_general3A = arith.constant dense<0.000000e+00> : vector<1024x64xf32>
    %dot_general3A_20 = tpu.matmul %max3A_14, %get3A_19, %dot_general3A {dimension_numbers = #tpu.dot_dimension_numbers<[1], [0], [0], [1], [0, 0, 1, 1], [], []>, transpose_lhs_hint = false} : vector<1024x128xf32>, vector<128x64xf32>, vector<1024x64xf32> -> vector<1024x64xf32>
    %mul3A_21 = vector.broadcast %broadcast_in_dim3A : vector<1024x1xf32> to vector<1024x64xf32>
    %mul3A_22 = arith.mulf %dot_general3A_20, %mul3A_21 : vector<1024x64xf32>
    %jit3A = arith.constant 0 : i32
    %convert_element_type3A = arith.sitofp %jit3A : i32 to f32
    %pad3A = vector.broadcast %convert_element_type3A : f32 to vector<1024x64xf32>
    %pad3A_23 = tpu.concatenate %mul3A_22, %pad3A in 1 : vector<1024x64xf32>, vector<1024x64xf32> -> vector<1024x128xf32>
    %swap3A_24 = arith.constant 0 : index
    %swap3A_25 = arith.constant 0 : index
    %swap3A_26 = vector.load %arg7[%swap3A_24, %swap3A_25] : memref<1024x128xf32, #tpu.memory_space<vmem>>, vector<1024x128xf32>
    tpu.vector_store %arg7[%swap3A_24, %swap3A_25], %pad3A_23 {strides = array<i32>} : memref<1024x128xf32, #tpu.memory_space<vmem>>, vector<1024x128xf32>,
    return
  }
  func.func @transform_0(%arg0: i32) -> (i32, i32) {
    %c0_i32 = arith.constant 0 : i32
    %c0_i32_0 = arith.constant 0 : i32
    return %arg0, %c0_i32 : i32, i32
  }
  func.func @transform_1(%arg0: i32) -> (i32, i32) {
    %c0_i32 = arith.constant 0 : i32
    %c0_i32_0 = arith.constant 0 : i32
    return %arg0, %c0_i32 : i32, i32
  }
  func.func @transform_2(%arg0: i32) -> i32 {
    %c0_i32 = arith.constant 0 : i32
    return %arg0 : i32
  }
  func.func @transform_3(%arg0: i32) -> i32 {
    %c0_i32 = arith.constant 0 : i32
    %c0_i32_0 = arith.constant 0 : i32
    return %c0_i32 : i32
  }
  func.func @transform_4(%arg0: i32) -> (i32, i32) {
    %c0_i32 = arith.constant 0 : i32
    %c0_i32_0 = arith.constant 0 : i32
    %c0_i32_1 = arith.constant 0 : i32
    return %c0_i32, %c0_i32_0 : i32, i32
  }
  func.func @transform_5(%arg0: i32) -> (i32, i32) {
    %c0_i32 = arith.constant 0 : i32
    %c0_i32_0 = arith.constant 0 : i32
    return %arg0, %c0_i32 : i32, i32
  }
  func.func @transform_6(%arg0: i32) -> (i32, i32) {
    %c0_i32 = arith.constant 0 : i32
    %c0_i32_0 = arith.constant 0 : i32
    return %arg0, %c0_i32 : i32, i32
  }
}

module attributes {stable_mosaic.version = 14 : i64} {
  func.func @body(%arg0: i32, %arg1: memref<1024x128xf32, #tpu.memory_space<vmem>>, %arg2: memref<1024x128xf32, #tpu.memory_space<vmem>>, %arg3: memref<1024xf32, #tpu.memory_space<vmem>>, %arg4: memref<64xf32, #tpu.memory_space<vmem>>, %arg5: memref<1024x64xf32, #tpu.memory_space<vmem>>) attributes {dimension_semantics = [#tpu.dimension_semantics<arbitrary>], iteration_bounds = array<i64: 10>, scalar_prefetch = 0 : i64, scratch_operands = 0 : i64, tpu.core_type = #tpu.core_type<tc>, window_params = [{transform_indices = @transform_0, window_bounds = array<i64: 1024, 128>}, {transform_indices = @transform_1, window_bounds = array<i64: 1024, 128>}, {transform_indices = @transform_2, window_bounds = array<i64: 1024>}, {pipeline_mode = #tpu.pipeline_mode<synchronous>, transform_indices = @transform_3, window_bounds = array<i64: 64>}, {transform_indices = @transform_4, window_bounds = array<i64: 1024, 64>}]} {
    %get3A = arith.constant 0 : index
    %get3A_0 = arith.constant 0 : index
    %get3A_1 = vector.load %arg1[%get3A, %get3A_0] : memref<1024x128xf32, #tpu.memory_space<vmem>>, vector<1024x128xf32>
    %get3A_2 = arith.constant 0 : index
    %get3A_3 = arith.constant 0 : index
    %get3A_4 = vector.load %arg2[%get3A_2, %get3A_3] : memref<1024x128xf32, #tpu.memory_space<vmem>>, vector<1024x128xf32>
    %add3A = arith.addf %get3A_1, %get3A_4 : vector<1024x128xf32>
    %slice3A = vector.extract_strided_slice %add3A {offsets = [0, 0], sizes = [1024, 64], strides = [1, 1]} : vector<1024x128xf32> to vector<1024x64xf32>
    %get3A_5 = arith.constant 0 : index
    %get3A_6 = vector.load %arg3[%get3A_5] : memref<1024xf32, #tpu.memory_space<vmem>>, vector<1024xf32>
    %broadcast_in_dim3A = vector.shape_cast %get3A_6 : vector<1024xf32> to vector<1024x1xf32>
    %mul3A = vector.broadcast %broadcast_in_dim3A : vector<1024x1xf32> to vector<1024x64xf32>
    %mul3A_7 = arith.mulf %slice3A, %mul3A : vector<1024x64xf32>
    %get3A_8 = arith.constant 0 : index
    %get3A_9 = vector.load %arg4[%get3A_8] : memref<64xf32, #tpu.memory_space<vmem>>, vector<64xf32>
    %broadcast_in_dim3A_10 = vector.shape_cast %get3A_9 : vector<64xf32> to vector<1x64xf32>
    %add3A_11 = vector.broadcast %broadcast_in_dim3A_10 : vector<1x64xf32> to vector<1024x64xf32>
    %add3A_12 = arith.addf %mul3A_7, %add3A_11 : vector<1024x64xf32>
    %swap3A = arith.constant 0 : index
    %swap3A_13 = arith.constant 0 : index
    %swap3A_14 = vector.load %arg5[%swap3A, %swap3A_13] : memref<1024x64xf32, #tpu.memory_space<vmem>>, vector<1024x64xf32>
    tpu.vector_store %arg5[%swap3A, %swap3A_13], %add3A_12 {strides = array<i32>} : memref<1024x64xf32, #tpu.memory_space<vmem>>, vector<1024x64xf32>,
    return
  }
  func.func @transform_0(%arg0: i32) -> (i32, i32) {
    %c0_i32 = arith.constant 0 : i32
    %c0_i32_0 = arith.constant 0 : i32
    return %arg0, %c0_i32 : i32, i32
  }
  func.func @transform_1(%arg0: i32) -> (i32, i32) {
    %c0_i32 = arith.constant 0 : i32
    %c0_i32_0 = arith.constant 0 : i32
    return %arg0, %c0_i32 : i32, i32
  }
  func.func @transform_2(%arg0: i32) -> i32 {
    %c0_i32 = arith.constant 0 : i32
    return %arg0 : i32
  }
  func.func @transform_3(%arg0: i32) -> i32 {
    %c0_i32 = arith.constant 0 : i32
    %c0_i32_0 = arith.constant 0 : i32
    return %c0_i32 : i32
  }
  func.func @transform_4(%arg0: i32) -> (i32, i32) {
    %c0_i32 = arith.constant 0 : i32
    %c0_i32_0 = arith.constant 0 : i32
    return %arg0, %c0_i32 : i32, i32
  }
}

</mosaic_0001>

<sc_bundles>
// kernel: kernel.11.cloned.1.call-start
scs
__scs_entry_jumppad:
0x0: {  	(pc) =	sbr.rel $0x88, $3  }
0x1: {  	(tag) =	ssettag $0x0;
	lr =	simm.s32 $0x1  }
0x2: {  	[smem:$0x3F9B] =	sst lr;
	_ =	strace $0xD0000000  }
0x3: {  	_ = 	snop  }
0x4: {  	_ = 	snop  }
0x5: {  	_ = 	snop  }
0x6: {  	_ = 	snop  }
0x7: {  	_ = 	snop  }
__scs_overlays_trampoline_lowered:
0x8: {  	[smem:$0x3FAA] =	sst s0  }
0x9: {  	[smem:$0x3FAB] =	sst s1  }
0xa: {  	[smem:$0x3FAC] =	sst s2  }
0xb: {  	[smem:$0x3FAD] =	sst s3  }
0xc: {  	[smem:$0x3FAE] =	sst s4  }
0xd: {  	[smem:$0x3FAF] =	sst s5  }
0xe: {  	[smem:$0x3FB0] =	sst s6  }
0xf: {  	[smem:$0x3FB1] =	sst s7  }
0x10: {  	[smem:$0x3FB2] =	sst s8  }
0x11: {  	[smem:$0x3FB3] =	sst s9;
	s0 =	simm.s32 @!p0 $0x0  }
0x12: {  	s1 =	sld [smem:$0x3F99];
	s0 =	simm.s32 @p0 $0x1  }
0x13: {  	[smem:$0x3FB4] =	sst s0;
	s0 =	simm.s32 @!p1 $0x0  }
0x14: {  	s2 =	sld [smem:$0x3F98];
	s0 =	simm.s32 @p1 $0x1  }
0x15: {  	[smem:$0x3FB5] =	sst s0;
	s0 =	simm.s32 @!p2 $0x0  }
0x16: {  	s3 =	sld [smem:$0x3FDB];
	s0 =	simm.s32 @p2 $0x1  }
0x17: {  	s4 =	simm.s32 $0x1BF5;
	[smem:$0x3FB7] =	sst s0  }
0x18: {  	s0 =	sld [smem:$0x3F9A];
	_ =	swait.ge [sflag:s4], $0x0  }
0x19: {  	s7 =	sld [smem:$0x3F9B]  }
0x1a: {  	s8 =	sadd.s32 $0xFFFFE003, lr  }
0x1b: {  	s9 =	sadd.s32 $0xFFFFFEF7, lr;
	s5 =	simm.s32 $0xFFFFFFFF;
	p2 =	slt.u32 s8, $0xFFFFF086  }
0x1c: {  	p1 =	slt.u32 s9, $0xF7A;
	s5 =	simm.s32 @!p2 $0x0  }
0x1d: {  	s5 =	simm.s32 @p1 $0x1;
	p0 =	seq.s32 s7, s2  }
0x1e: {  	s7 =	smul.u32 @!p0 $0xF7A, s2;
	p2 =	seq.s32 @!p0 s5, $0x0  }
0x1f: {  	s9 =	smul.u32 $0xF7A, s1;
	s8 =	simm.s32 @!p0 $0x1BF5;
	p2 =	por !p2, p0  }
0x20: {  	[sflag:s8] =	ssyncset.s32 @!p0 $0xFFFFF086;
	s6 =	sadd.s32 @!p0 s3, s7;
	s7 =	simm.s32 @!p0 $0x108  }
0x21: {  	s3 =	sadd.s32 s3, s9;
	s6 =	sadd.s32 @!p0 $0x88, s6;
	s7 =	simm.s32 @p2 $0x1082  }
0x22: {  	[simem:s7], [sflag:s8] =	dma.local @!p0 [hbm:s6], $0xF7A  }
0x23: {  	s9 =	sor.u32 $0xD0000000, s2;
	s6 =	simm.s32 $0x108;
	_ =	swait.ge @!p0 [sflag:s8], $0x0  }
0x24: {  	s3 =	sadd.s32 $0x88, s3;
	s6 =	simm.s32 @!p1 $0x1082;
	[sflag:s4] =	ssyncset.s32 $0xFFFFF086  }
0x25: {  	[simem:s6], [sflag:s4] =	dma.local [hbm:s3], $0xF7A  }
0x26: {  	[smem:$0x3F9B] =	sst s1;
	(tag) =	ssettag s2;
	_ =	strace s9  }
0x27: {  	s1 =	sld [smem:$0x3FAB]  }
0x28: {  	s2 =	sld [smem:$0x3FAC]  }
0x29: {  	s4 =	sld [smem:$0x3FAE]  }
0x2a: {  	p0 =	seq.s32 s5, $0x0;
	s5 =	sld [smem:$0x3FAF]  }
0x2b: {  	s6 =	sld [smem:$0x3FB0]  }
0x2c: {  	s7 =	sld [smem:$0x3FB1]  }
0x2d: {  	s3 =	simm.s32 $0x108;
	s8 =	sld [smem:$0x3FB2]  }
0x2e: {  	s3 =	simm.s32 @!p0 $0x1082;
	s9 =	sld [smem:$0x3FB3]  }
0x2f: {  	lr =	sadd.s32 s0, s3;
	s0 =	sld [smem:$0x3FAA]  }
0x30: {  	s3 =	sld [smem:$0x3FAD]  }
0x31: {  	[smem:$0x3FB6] =	sst s10  }
0x32: {  	s10 =	sld [smem:$0x3FB4];
	_ =	sdelay $0x3  }
0x33: {  	p0 =	seq.s32 s10, $0x1;
	s10 =	sld [smem:$0x3FB6];
	_ =	sdelay $0x3  }
0x34: {  	[smem:$0x3FB6] =	sst s10  }
0x35: {  	s10 =	sld [smem:$0x3FB5];
	_ =	sdelay $0x3  }
0x36: {  	p1 =	seq.s32 s10, $0x1;
	s10 =	sld [smem:$0x3FB6];
	_ =	sdelay $0x3  }
0x37: {  	[smem:$0x3FB6] =	sst s10  }
0x38: {  	s10 =	sld [smem:$0x3FB7]  }
0x39: {  	_ = 	snop;
	(pc) =	sbr.ind lr, $3  }
0x3a: {  	_ = 	snop  }
0x3b: {  	_ = 	snop  }
0x3c: {  	p2 =	seq.s32 s10, $0x1;
	s10 =	sld [smem:$0x3FB6]  }
0x3d: {  	_ =	shalt  }
0x3e: {  	_ =	shalt  }
0x3f: {  	_ =	shalt  }
0x40: {  	_ =	shalt  }
0x41: {  	_ =	shalt  }
0x42: {  	_ =	shalt  }
0x43: {  	_ =	shalt  }
0x44: {  	_ =	shalt  }
0x45: {  	_ =	shalt  }
0x46: {  	_ =	shalt  }
0x47: {  	_ =	shalt  }
0x48: {  	_ =	shalt  }
0x49: {  	_ =	shalt  }
0x4a: {  	_ =	shalt  }
0x4b: {  	_ =	shalt  }
0x4c: {  	_ =	shalt  }
0x4d: {  	_ =	shalt  }
0x4e: {  	_ =	shalt  }
0x4f: {  	_ =	shalt  }
0x50: {  	_ =	shalt  }
0x51: {  	_ =	shalt  }
0x52: {  	_ =	shalt  }
0x53: {  	_ =	shalt  }
0x54: {  	_ =	shalt  }
0x55: {  	_ =	shalt  }
0x56: {  	_ =	shalt  }
0x57: {  	_ =	shalt  }
0x58: {  	_ =	shalt  }
0x59: {  	_ =	shalt  }
0x5a: {  	_ =	shalt  }
0x5b: {  	_ =	shalt  }
0x5c: {  	_ =	shalt  }
0x5d: {  	_ =	shalt  }
0x5e: {  	_ =	shalt  }
0x5f: {  	_ =	shalt  }
0x60: {  	_ =	shalt  }
0x61: {  	_ =	shalt  }
0x62: {  	_ =	shalt  }
0x63: {  	_ =	shalt  }
0x64: {  	_ =	shalt  }
0x65: {  	_ =	shalt  }
0x66: {  	_ =	shalt  }
0x67: {  	_ =	shalt  }
0x68: {  	_ =	shalt  }
0x69: {  	_ =	shalt  }
0x6a: {  	_ =	shalt  }
0x6b: {  	_ =	shalt  }
0x6c: {  	_ =	shalt  }
0x6d: {  	_ =	shalt  }
0x6e: {  	_ =	shalt  }
0x6f: {  	_ =	shalt  }
0x70: {  	_ =	shalt  }
0x71: {  	_ =	shalt  }
0x72: {  	_ =	shalt  }
0x73: {  	_ =	shalt  }
0x74: {  	_ =	shalt  }
0x75: {  	_ =	shalt  }
0x76: {  	_ =	shalt  }
0x77: {  	_ =	shalt  }
0x78: {  	_ =	shalt  }
0x79: {  	_ =	shalt  }
0x7a: {  	_ =	shalt  }
0x7b: {  	_ =	shalt  }
0x7c: {  	_ =	shalt  }
0x7d: {  	_ =	shalt  }
0x7e: {  	_ =	shalt  }
0x7f: {  	_ =	shalt  }
0x80: {  	_ =	shalt  }
0x81: {  	_ =	shalt  }
0x82: {  	_ =	shalt  }
0x83: {  	_ =	shalt  }
0x84: {  	_ =	shalt  }
0x85: {  	_ =	shalt  }
0x86: {  	_ =	shalt  }
0x87: {  	_ =	shalt  }
.Lfunc_end0:
.L_simem_size_0:
called_computation.1_lowered:
.L_overlay_start_0:
0x88: {  	s2 =	sld [smem:$0x3FD9]  }
0x89: {  	s3 =	sld [smem:$0x3FFE];
	_ =	sdelay $0x1  }
0x8a: {  	s1 =	srdreg.scid  }
0x8b: {  	s0 =	sand.u32 $0x1, s1  }
0x8c: {  	s14 =	sshll.u32 s0, $0xA;
	s2 =	sadd.s32 s3, s2  }
0x8d: {  	s2 =	sadd.s32 s2, s14  }
0x8e: {  	[smem:$0x3FC2] =	sst s2  }
0x8f: {  	_ = 	snop  }
0x90: {  	s2 =	sld [smem:$0x3FD0];
	_ =	sdelay $0x2  }
0x91: {  	s15 =	simm.s32 $0xA;
	s4 =	simm.s32 $0x10  }
0x92: {  	[smem:s4], [sflag:s15] =	dma.local [hbm:s2], $0x1  }
0x93: {  	_ =	swait.eq [sflag:s15], $0x1  }
0x94: {  	[sflag:s15] =	ssyncset.done $0x0  }
0x95: {  	[sflag:s15] =	ssyncadd.s32 $0xFFFFFFFF  }
0x96: {  	s16 =	sld [smem:$0x10];
	(tm) =	ssettm $0x1  }
0x97: {  	s17 =	sld [smem:$0x3FFB];
	_ =	sdelay $0x3  }
0x98: {  	_ =	strace s17  }
0x99: {  	s3 =	sld [smem:$0x3FFC];
	_ =	sdelay $0x3  }
0x9a: {  	_ =	strace s3  }
0x9b: {  	s3 =	sld [smem:$0x3FFD];
	_ =	sdelay $0x3  }
0x9c: {  	_ =	strace s3  }
0x9d: {  	_ =	strace $0x8FFFFFFF  }
0x9e: {  	s18 =	sld [smem:$0x3FDB];
	_ =	sdelay $0x1  }
0x9f: {  	s19 =	simm.s32 $_scs_section_size  }
0xa0: {  	s5 =	simm.s32 $_size__tile_overlayer_lowered;
	s6 =	simm.s32 $_tile_overlayer_lowered  }
0xa1: {  	s22 =	simm.s32 $0x1BFF;
	s21 =	sshll.u32 s6, $0x1;
	s3 =	sadd.s32 s19, s18  }
0xa2: {  	s7 =	simm.s32 $0x0;
	s20 =	sshll.u32 s5, $0x1;
	s5 =	sadd.s32 s21, s3  }
0xa3: {  	[timem:s7], [sflag:s22] =	dma.local [hbm:s5], s20  }
0xa4: {  	_ =	swait.ge [sflag:s22], s20  }
0xa5: {  	s4 =	ssub.s32 $0x0, s20;
	[sflag:s22] =	ssyncset.done $0x0  }
0xa6: {  	[sflag:s22] =	ssyncadd.s32 s4;
	_ =	sdelay $0x1  }
0xa7: {  	s23 =	simm.s32 $0x1B8B  }
0xa8: {  	_ =	swait.ge [sflag:s23], $0x1  }
0xa9: {  	[sflag:s23] =	ssyncset.done $0x0  }
0xaa: {  	s25 =	simm.s32 $0x1B8E;
	s24 =	sld [smem:$0x3FFE];
	[sflag:s23] =	ssyncadd.s32 $0xFFFFFFFF  }
0xab: {  	s26 =	simm.s32 $execute0_lowered;
	[smem:$0x3FD2] =	sst s25  }
0xac: {  	s5 =	sshll.u32 s26, $0x1;
	_ =	strace $0x80000049;
	[dreg:$0x1] =	wrdreg $0xFFFFFFFF  }
0xad: {  	s28 =	simm.s32 $_size_execute0_lowered;
	s3 =	sadd.s32 s3, s5;
	[dreg:$0x0] =	wrdreg $0x0  }
0xae: {  	s5 =	sshll.u32 s28, $0x1;
	[dreg:$0x2] =	wrdreg s3  }
0xaf: {  	[dreg:$0x3] =	wrdreg s5  }
0xb0: {  	[dreg:$0x4] =	wrdreg $0xC0  }
0xb1: {  	_ =	task [dreg:s7], $0x5FFFF  }
0xb2: {  	[dreg:$0x1] =	wrdreg $0xFFFFFFFF  }
0xb3: {  	[dreg:$0x0] =	wrdreg $0x60  }
0xb4: {  	[dreg:$0x2] =	wrdreg s24  }
0xb5: {  	[dreg:$0x3] =	wrdreg s16  }
0xb6: {  	[dreg:$0x4] =	wrdreg $0x161000  }
0xb7: {  	[dreg:$0x5] =	wrdreg $0x9  }
0xb8: {  	_ =	task.clear_ibuf [dreg:s7], $0x6FFFF;
	_ =	strace $0x90000049  }
0xb9: {  	s29 =	simm.s32 $0x9;
	_ =	strace $0x8000004B  }
0xba: {  	_ =	swait.ge [sflag:s29], $0x1  }
0xbb: {  	[sflag:s29] =	ssyncadd.s32 $0xFFFFFFFF  }
0xbc: {  	_ =	strace $0x9000004B  }
0xbd: {  	_ =	sfence  }
0xbe: {  	s30 =	sld [smem:$0x0];
	_ =	sdelay $0x2  }
0xbf: {  	s31 =	sshll.u32 s1, $0xD;
	s1 =	sshrl.u32 s1, $0x2  }
0xc0: {  	s3 =	sand.u32 $0x4000, s31;
	s1 =	sadd.s32 s1, s30  }
0xc1: {  	s0 =	sor.u32 s3, s0;
	s1 =	sshll.u32 s1, $0x11  }
0xc2: {  	s0 =	sor.u32 s1, s0  }
0xc3: {  	s0 =	sadd.s32 $0x8F2B, s0  }
0xc4: {  	[sflag:s0] =	ssyncadd.remote.s32 $0x1  }
0xc5: {  	_ =	sfence.sel $0xFFFF  }
0xc6: {  	[dreg:$0x0] =	wrdreg $0xFFFFFFFF;
	(pc) =	sbr.abs _section_cstart, $3  }
0xc7: {  	[dreg:$0x1] =	wrdreg $0xFFFFFFFF  }
0xc8: {  	_ =	task.clear_ibuf [dreg:s7], $0x2FFFF;
	_ =	strace $0x9FFFFFFF  }
0xc9: {  	(tm) =	ssettm $0x7FFFFFFF  }
tec
execute0_lowered:
.L_overlay_start_1:
0x0: {  	(tag) =	ssettag $0x1  }
0x1: {  	s0 =	rddreg [dreg:$0x0]  }
0x2: {  	s1 =	srdreg.scid;
	s5 =	rddreg [dreg:$0x1]  }
0x3: {  	s19 =	stileid.u32;
	s2 =	rddreg [dreg:$0x2];
	s3 =	simm.s32 $0x0  }
0x4: {  	s18 =	simm.s32 $0x5;
	s20 =	simm.s32 $0x12100;
	s21 =	simm.s32 $0x80  }
0x5: {  	s22 =	simm.s32 $0xA100;
	s28 =	simm.s32 $0xA080;
	s29 =	simm.s32 $0x3  }
0x6: {  	s30 =	simm.s32 $0x4;
	s31 =	simm.s32 $0x14100;
	s1 =	sand.u32 $0x1, s1  }
0x7: {  	s6 =	smul.u32 $0x5000, s19;
	[smem:$0x7FF] =	sst s3;
	s24 =	sshll.u32 s19, $0xD  }
0x8: {  	p0 =	seq.s32 s19, $0xF;
	s4 =	smul.u32 $0x50000, s1;
	_ =	strace $0x8000004A  }
0x9: {  	s8 =	ssub.s32 $0x2, s1;
	s1 =	smul.u32 $0x9E000, s1;
	s12 =	sor.u32 $0x20000, s24  }
0xa: {  	s15 =	sor.u32 $0x40000, s24;
	s16 =	sor.u32 $0x60000, s24;
	s17 =	sor.u32 $0x80000, s24  }
0xb: {  	s9 =	sshrl.u32 s8, $0x1;
	s10 =	sadd.s32 s15, s2;
	s11 =	sadd.s32 s16, s2  }
0xc: {  	s4 =	sadd.s32 s6, s4;
	s8 =	ssub.s32 s8, s9;
	s6 =	sshrl.u32 s6, $0x3  }
0xd: {  	s9 =	sadd.s32 s12, s2;
	s13 =	sadd.s32 s1, s12;
	s12 =	sadd.s32 s17, s2  }
0xe: {  	s25 =	sadd.s32 s1, s15;
	s16 =	sadd.s32 s1, s16;
	s7 =	sshrl.u32 s4, $0x3  }
0xf: {  	s4 =	sadd.s32 $0x16C00, s0;
	s5 =	sadd.s32 s5, s6;
	s14 =	sshrl.u32 s13, $0x3  }
0x10: {  	s26 =	sshrl.u32 s16, $0x3;
	s7 =	sadd.s32 s7, s0;
	s0 =	sadd.s32 $0x3EC00, s0  }
0x11: {  	[dreg:$0x4] =	wrdreg s5;
	s5 =	sadd.s32 s1, s24;
	s1 =	sadd.s32 s1, s17  }
0x12: {  	s23 =	sadd.s32 $0x2C00, s7;
	s7 =	smax.u32 s8, $0x1;
	s8 =	sadd.s32 s24, s2  }
0x13: {  	s5 =	sshrl.u32 s5, $0x3;
	s14 =	sadd.s32 s0, s14;
	s1 =	sshrl.u32 s1, $0x3  }
0x14: {  	s16 =	sadd.s32 s0, s26;
	s24 =	simm.s32 $0x1;
	s26 =	simm.s32 $0x2  }
0x15: {  	[dreg:$0x5] =	wrdreg s23;
	s13 =	sadd.s32 s0, s5;
	s5 =	sshrl.u32 s25, $0x3  }
0x16: {  	s17 =	sadd.s32 s0, s1;
	s23 =	simm.s32 $0xE100;
	s25 =	simm.s32 $0xA000  }
0x17: {  	v0 =	vimm.f32 $0.0e+00;
	s1 =	simm.s32 $0x6;
	s15 =	sadd.s32 s0, s5;
	s0 =	simm.s32 $0x0  }
.LBB2_1:
0x18: {  	s5 =	rddreg [dreg:$0x4]  }
0x19: {  	[tilespmem:s3], [sflag:$0x5] =	stream.linear.gather [hbm4b:s5+s3], $0x5000, $0x38;
	[tilespmem:$0x1FF80] =	vst v63  }
0x1a: {  	_ =	swait.ge [sflag:s18], $0x5000  }
0x1b: {  	[sflag:s18] =	ssyncset.done $0x0  }
0x1c: {  	s6 =	simm.s32 $0x5000;
	s19 =	rddreg [dreg:$0x5];
	[sflag:s18] =	ssyncadd.s32 $0xFFFFB000  }
0x1d: {  	[tilespmem:s6], [sflag:$0x5] =	stream.linear.gather [hbm4b:s19+s3], $0x5000, $0x38;
	[tilespmem:$0x1FF80] =	vst v63  }
0x1e: {  	_ =	swait.ge [sflag:s18], $0x5000  }
0x1f: {  	[sflag:s18] =	ssyncset.done $0x0  }
0x20: {  	s5 =	simm.s32 $0x0;
	s19 =	simm.s32 $0x200;
	[sflag:s18] =	ssyncadd.s32 $0xFFFFB000  }
.LBB2_2:
0x21: {  	p1 =	sne.s32 s19, $0x7E00;
	[tilespmem:s5+$0x12170] =	vst v0  }
0x22: {  	[tilespmem:s5+$0x12100] =	vst v0  }
0x23: {  	[tilespmem:s5+$0x12110] =	vst v0  }
.Ltmp0:
0x24: {  	[tilespmem:s5+$0x12120] =	vst v0;
	(pc) =	sbr.rel @p1 .LBB2_2-.Ltmp0, $4  }
0x25: {  	[tilespmem:s5+$0x12130] =	vst v0  }
0x26: {  	[tilespmem:s5+$0x12140] =	vst v0  }
0x27: {  	[tilespmem:s5+$0x12150] =	vst v0  }
0x28: {  	[tilespmem:s5+$0x12160] =	vst v0;
	s5 =	sshra.s32 s19, $0x2;
	s19 =	sadd.s32 $0x200, s19  }
0x29: {  	[tilespmem:s5+$0x12170] =	vst v0  }
0x2a: {  	[tilespmem:s5+$0x12100] =	vst v0  }
0x2b: {  	[tilespmem:s5+$0x12110] =	vst v0  }
0x2c: {  	[tilespmem:s5+$0x12120] =	vst v0  }
0x2d: {  	[tilespmem:s5+$0x12130] =	vst v0  }
0x2e: {  	[tilespmem:s5+$0x12140] =	vst v0  }
0x2f: {  	[tilespmem:s5+$0x12150] =	vst v0  }
0x30: {  	[tilespmem:s5+$0x12160] =	vst v0  }
0x31: {  	[spmem:s8] =	stream.linear.scatter [tilespmem:s20], [sflag:$0x5], $0x2000, $0x38;
	[tilespmem:$0x1FF80] =	vst v63  }
0x32: {  	_ =	swait.ge [sflag:s18], $0x2000  }
0x33: {  	[sflag:s18] =	ssyncset.done $0x0  }
0x34: {  	[sflag:s18] =	ssyncadd.s32 $0xFFFFE000  }
0x35: {  	[spmem:s9] =	stream.linear.scatter [tilespmem:s20], [sflag:$0x5], $0x2000, $0x38;
	[tilespmem:$0x1FF80] =	vst v63  }
0x36: {  	_ =	swait.ge [sflag:s18], $0x2000  }
0x37: {  	[sflag:s18] =	ssyncset.done $0x0  }
0x38: {  	[sflag:s18] =	ssyncadd.s32 $0xFFFFE000  }
0x39: {  	[spmem:s10] =	stream.linear.scatter [tilespmem:s20], [sflag:$0x5], $0x2000, $0x38;
	[tilespmem:$0x1FF80] =	vst v63  }
0x3a: {  	_ =	swait.ge [sflag:s18], $0x2000  }
0x3b: {  	[sflag:s18] =	ssyncset.done $0x0  }
0x3c: {  	[sflag:s18] =	ssyncadd.s32 $0xFFFFE000  }
0x3d: {  	[spmem:s11] =	stream.linear.scatter [tilespmem:s20], [sflag:$0x5], $0x2000, $0x38;
	[tilespmem:$0x1FF80] =	vst v63  }
0x3e: {  	_ =	swait.ge [sflag:s18], $0x2000  }
0x3f: {  	[sflag:s18] =	ssyncset.done $0x0  }
0x40: {  	s5 =	simm.s32 @!p0 $0x12100;
	[sflag:s18] =	ssyncadd.s32 $0xFFFFE000  }
0x41: {  	[spmem:s12] =	stream.linear.scatter @!p0 [tilespmem:s5], [sflag:$0x5], $0x2000, $0x38;
	[tilespmem:$0x1FF80] =	vst v63  }
0x42: {  	s5 =	simm.s32 @!p0 $0x5  }
0x43: {  	_ =	swait.ge @!p0 [sflag:s5], $0x2000  }
0x44: {  	[sflag:s5] =	ssyncset.done @!p0 $0x0  }
0x45: {  	[sflag:s5] =	ssyncadd.s32 @!p0 $0xFFFFE000  }
0x46: {  	s19 =	simm.s32 $0x0;
	[bflag:$0x0] =	sbarrier.arrive $0xFFFF  }
0x47: {  	[tilespmem:s22], [sflag:$0x1] =	stream.indirect.gather [hbm4b:s4+s21], $0x80, s19, s21, $0xb8;
	[tilespmem:$0x1FF80] =	vst v63  }
0x48: {  	_ = 	snop  }
0x49: {  	[tilespmem:s23], [sflag:$0x2] =	stream.indirect.gather [hbm4b:s4+s21], $0x80, s21, s21, $0xb8;
	[tilespmem:$0x1FF80] =	vst v63  }
0x4a: {  	_ =	swait.ge [sflag:s24], $0x4000  }
0x4b: {  	[sflag:s24] =	ssyncset.done $0x0  }
0x4c: {  	s6 =	simm.s32 $0x0;
	[sflag:s24] =	ssyncadd.s32 $0xFFFFC000  }
0x4d: {  	v1 =	vld [tilespmem:s6+$0x5000];
	_ =	sdelay $0x4  }
0x4e: {  	[tilespmem:$0xA000] =	vst v1  }
0x4f: {  	v1 =	vld [tilespmem:s6+$0x5010];
	_ =	sdelay $0x4  }
0x50: {  	[tilespmem:$0xA010] =	vst v1  }
0x51: {  	v1 =	vld [tilespmem:s6+$0x5020];
	_ =	sdelay $0x4  }
0x52: {  	[tilespmem:$0xA020] =	vst v1  }
0x53: {  	v1 =	vld [tilespmem:s6+$0x5030];
	_ =	sdelay $0x4  }
0x54: {  	[tilespmem:$0xA030] =	vst v1  }
0x55: {  	v1 =	vld [tilespmem:s6+$0x5040];
	_ =	sdelay $0x4  }
0x56: {  	[tilespmem:$0xA040] =	vst v1  }
0x57: {  	v1 =	vld [tilespmem:s6+$0x5050];
	_ =	sdelay $0x4  }
0x58: {  	[tilespmem:$0xA050] =	vst v1  }
0x59: {  	v1 =	vld [tilespmem:s6+$0x5060];
	_ =	sdelay $0x4  }
0x5a: {  	[tilespmem:$0xA060] =	vst v1  }
0x5b: {  	v1 =	vld [tilespmem:s6+$0x5070];
	_ =	sdelay $0x4  }
0x5c: {  	[tilespmem:$0xA070] =	vst v1  }
0x5d: {  	[spmem:s2] =	stream.indirect.scatter.add.f32 [tilespmem:s22], [sflag:$0x3], $0x80, s25, s21, $0xb8;
	[tilespmem:$0x1FF80] =	vst v63  }
0x5e: {  	_ =	swait.ge [sflag:s26], $0x4000  }
0x5f: {  	[sflag:s26] =	ssyncset.done $0x0  }
0x60: {  	[sflag:s26] =	ssyncadd.s32 $0xFFFFC000  }
0x61: {  	v1 =	vld [tilespmem:s6+$0x5080];
	_ =	sdelay $0x4  }
0x62: {  	[tilespmem:$0xA080] =	vst v1  }
0x63: {  	v1 =	vld [tilespmem:s6+$0x5090];
	_ =	sdelay $0x4  }
0x64: {  	[tilespmem:$0xA090] =	vst v1  }
0x65: {  	v1 =	vld [tilespmem:s6+$0x50A0];
	_ =	sdelay $0x4  }
0x66: {  	[tilespmem:$0xA0A0] =	vst v1  }
0x67: {  	v1 =	vld [tilespmem:s6+$0x50B0];
	_ =	sdelay $0x4  }
0x68: {  	[tilespmem:$0xA0B0] =	vst v1  }
0x69: {  	v1 =	vld [tilespmem:s6+$0x50C0];
	_ =	sdelay $0x4  }
0x6a: {  	[tilespmem:$0xA0C0] =	vst v1  }
0x6b: {  	v1 =	vld [tilespmem:s6+$0x50D0];
	_ =	sdelay $0x4  }
0x6c: {  	[tilespmem:$0xA0D0] =	vst v1  }
0x6d: {  	v1 =	vld [tilespmem:s6+$0x50E0];
	_ =	sdelay $0x4  }
0x6e: {  	[tilespmem:$0xA0E0] =	vst v1  }
0x6f: {  	v1 =	vld [tilespmem:s6+$0x50F0];
	_ =	sdelay $0x4  }
0x70: {  	[tilespmem:$0xA0F0] =	vst v1  }
0x71: {  	[spmem:s2] =	stream.indirect.scatter.add.f32 [tilespmem:s23], [sflag:$0x4], $0x80, s28, s21, $0xb8;
	[tilespmem:$0x1FF80] =	vst v63  }
0x72: {  	_ =	swait.ge [sflag:s29], $0x4000  }
0x73: {  	[sflag:s29] =	ssyncset.done $0x0  }
0x74: {  	s19 =	simm.s32 $0x100;
	[sflag:s29] =	ssyncadd.s32 $0xFFFFC000  }
0x75: {  	[tilespmem:s22], [sflag:$0x1] =	stream.indirect.gather [hbm4b:s4+s21], $0x80, s19, s21, $0xb8;
	[tilespmem:$0x1FF80] =	vst v63  }
0x76: {  	_ =	swait.ge [sflag:s30], $0x4000  }
0x77: {  	[sflag:s30] =	ssyncset.done $0x0  }
0x78: {  	s5 =	simm.s32 $0x180;
	s19 =	simm.s32 $0x400;
	[sflag:s30] =	ssyncadd.s32 $0xFFFFC000  }
.LBB2_4:
0x79: {  	[tilespmem:s23], [sflag:$0x2] =	stream.indirect.gather [hbm4b:s4+s21], $0x80, s5, s21, $0xb8;
	[tilespmem:$0x1FF80] =	vst v63  }
0x7a: {  	s5 =	smov.u32 s19  }
0x7b: {  	p1 =	sne.s32 s19, $0x13800;
	s19 =	sadd.s32 $0x400, s19;
	_ =	swait.ge [sflag:s24], $0x4000  }
0x7c: {  	[sflag:s24] =	ssyncset.done $0x0  }
0x7d: {  	s5 =	sshra.s32 s5, $0x2;
	[sflag:s24] =	ssyncadd.s32 $0xFFFFC000  }
0x7e: {  	v1 =	vld [tilespmem:s5+$0x5000];
	_ =	sdelay $0x4  }
0x7f: {  	[tilespmem:$0xA000] =	vst v1  }
0x80: {  	v1 =	vld [tilespmem:s5+$0x5010];
	_ =	sdelay $0x4  }
0x81: {  	[tilespmem:$0xA010] =	vst v1  }
0x82: {  	v1 =	vld [tilespmem:s5+$0x5020];
	_ =	sdelay $0x4  }
0x83: {  	[tilespmem:$0xA020] =	vst v1  }
0x84: {  	v1 =	vld [tilespmem:s5+$0x5030];
	_ =	sdelay $0x4  }
0x85: {  	[tilespmem:$0xA030] =	vst v1  }
0x86: {  	v1 =	vld [tilespmem:s5+$0x5040];
	_ =	sdelay $0x4  }
0x87: {  	[tilespmem:$0xA040] =	vst v1  }
0x88: {  	v1 =	vld [tilespmem:s5+$0x5050];
	_ =	sdelay $0x4  }
0x89: {  	[tilespmem:$0xA050] =	vst v1  }
0x8a: {  	v1 =	vld [tilespmem:s5+$0x5060];
	_ =	sdelay $0x4  }
0x8b: {  	[tilespmem:$0xA060] =	vst v1  }
0x8c: {  	v1 =	vld [tilespmem:s5+$0x5070];
	_ =	sdelay $0x4  }
0x8d: {  	[tilespmem:$0xA070] =	vst v1  }
0x8e: {  	[spmem:s2] =	stream.indirect.scatter.add.f32 [tilespmem:s22], [sflag:$0x3], $0x80, s25, s21, $0xb8;
	[tilespmem:$0x1FF80] =	vst v63  }
0x8f: {  	_ =	swait.ge [sflag:s26], $0x4000  }
0x90: {  	[sflag:s26] =	ssyncset.done $0x0  }
0x91: {  	[sflag:s26] =	ssyncadd.s32 $0xFFFFC000  }
0x92: {  	v1 =	vld [tilespmem:s5+$0x5080];
	_ =	sdelay $0x4  }
0x93: {  	[tilespmem:$0xA080] =	vst v1  }
0x94: {  	v1 =	vld [tilespmem:s5+$0x5090];
	_ =	sdelay $0x4  }
0x95: {  	[tilespmem:$0xA090] =	vst v1  }
0x96: {  	v1 =	vld [tilespmem:s5+$0x50A0];
	_ =	sdelay $0x4  }
0x97: {  	[tilespmem:$0xA0A0] =	vst v1  }
0x98: {  	v1 =	vld [tilespmem:s5+$0x50B0];
	_ =	sdelay $0x4  }
0x99: {  	[tilespmem:$0xA0B0] =	vst v1  }
0x9a: {  	v1 =	vld [tilespmem:s5+$0x50C0];
	_ =	sdelay $0x4  }
0x9b: {  	[tilespmem:$0xA0C0] =	vst v1  }
0x9c: {  	v1 =	vld [tilespmem:s5+$0x50D0];
	_ =	sdelay $0x4  }
0x9d: {  	[tilespmem:$0xA0D0] =	vst v1  }
0x9e: {  	v1 =	vld [tilespmem:s5+$0x50E0];
	_ =	sdelay $0x4  }
0x9f: {  	[tilespmem:$0xA0E0] =	vst v1  }
0xa0: {  	v1 =	vld [tilespmem:s5+$0x50F0];
	_ =	sdelay $0x4  }
0xa1: {  	[tilespmem:$0xA0F0] =	vst v1  }
0xa2: {  	[spmem:s2] =	stream.indirect.scatter.add.f32 [tilespmem:s23], [sflag:$0x4], $0x80, s28, s21, $0xb8;
	[tilespmem:$0x1FF80] =	vst v63  }
0xa3: {  	_ =	swait.ge [sflag:s29], $0x4000  }
0xa4: {  	[sflag:s29] =	ssyncset.done $0x0  }
.Ltmp1:
0xa5: {  	s6 =	sadd.s32 $0x100, s5;
	[sflag:s29] =	ssyncadd.s32 $0xFFFFC000;
	(pc) =	sbr.rel @p1 .LBB2_4-.Ltmp1, $4  }
0xa6: {  	[tilespmem:s22], [sflag:$0x1] =	stream.indirect.gather [hbm4b:s4+s21], $0x80, s6, s21, $0xb8;
	[tilespmem:$0x1FF80] =	vst v63  }
0xa7: {  	_ =	swait.ge [sflag:s30], $0x4000  }
0xa8: {  	[sflag:s30] =	ssyncset.done $0x0  }
0xa9: {  	s5 =	sadd.s32 $0x180, s5;
	[sflag:s30] =	ssyncadd.s32 $0xFFFFC000  }
0xaa: {  	[tilespmem:s23], [sflag:$0x2] =	stream.indirect.gather [hbm4b:s4+s21], $0x80, s5, s21, $0xb8;
	[tilespmem:$0x1FF80] =	vst v63  }
0xab: {  	_ =	swait.ge [sflag:s24], $0x4000  }
0xac: {  	[sflag:s24] =	ssyncset.done $0x0  }
0xad: {  	[sflag:s24] =	ssyncadd.s32 $0xFFFFC000  }
0xae: {  	v1 =	vld [tilespmem:$0x9F00]  }
0xaf: {  	v2 =	vld [tilespmem:$0x9F10]  }
0xb0: {  	v3 =	vld [tilespmem:$0x9F20]  }
0xb1: {  	v4 =	vld [tilespmem:$0x9F30]  }
0xb2: {  	v5 =	vld [tilespmem:$0x9F40]  }
0xb3: {  	[tilespmem:$0xA000] =	vst v1;
	v1 =	vld [tilespmem:$0x9F50]  }
0xb4: {  	[tilespmem:$0xA010] =	vst v2;
	v2 =	vld [tilespmem:$0x9F60]  }
0xb5: {  	[tilespmem:$0xA020] =	vst v3;
	v3 =	vld [tilespmem:$0x9F70]  }
0xb6: {  	[tilespmem:$0xA030] =	vst v4  }
0xb7: {  	[tilespmem:$0xA040] =	vst v5  }
0xb8: {  	[tilespmem:$0xA050] =	vst v1  }
0xb9: {  	[tilespmem:$0xA060] =	vst v2  }
0xba: {  	[tilespmem:$0xA070] =	vst v3  }
0xbb: {  	[spmem:s2] =	stream.indirect.scatter.add.f32 [tilespmem:s22], [sflag:$0x3], $0x80, s25, s21, $0xb8;
	[tilespmem:$0x1FF80] =	vst v63  }
0xbc: {  	_ =	swait.ge [sflag:s26], $0x4000  }
0xbd: {  	[sflag:s26] =	ssyncset.done $0x0  }
0xbe: {  	[sflag:s26] =	ssyncadd.s32 $0xFFFFC000  }
0xbf: {  	v1 =	vld [tilespmem:$0x9F80]  }
0xc0: {  	v2 =	vld [tilespmem:$0x9F90]  }
0xc1: {  	v3 =	vld [tilespmem:$0x9FA0]  }
0xc2: {  	v62 =	vld [tilespmem:$0x9FB0]  }
0xc3: {  	v63 =	vld [tilespmem:$0x9FC0]  }
0xc4: {  	[tilespmem:$0xA080] =	vst v1;
	v1 =	vld [tilespmem:$0x9FD0]  }
0xc5: {  	[tilespmem:$0xA090] =	vst v2;
	v2 =	vld [tilespmem:$0x9FE0]  }
0xc6: {  	[tilespmem:$0xA0A0] =	vst v3;
	v3 =	vld [tilespmem:$0x9FF0]  }
0xc7: {  	[tilespmem:$0xA0B0] =	vst v62  }
0xc8: {  	[tilespmem:$0xA0C0] =	vst v63  }
0xc9: {  	[tilespmem:$0xA0D0] =	vst v1  }
0xca: {  	[tilespmem:$0xA0E0] =	vst v2  }
0xcb: {  	[tilespmem:$0xA0F0] =	vst v3  }
0xcc: {  	[spmem:s2] =	stream.indirect.scatter.add.f32 [tilespmem:s23], [sflag:$0x4], $0x80, s28, s21, $0xb8;
	[tilespmem:$0x1FF80] =	vst v63  }
0xcd: {  	_ =	swait.ge [sflag:s29], $0x4000  }
0xce: {  	[sflag:s29] =	ssyncset.done $0x0  }
0xcf: {  	[sflag:s29] =	ssyncadd.s32 $0xFFFFC000  }
0xd0: {  	_ =	swait.ge [sflag:s30], $0x4000  }
0xd1: {  	[sflag:s30] =	ssyncset.done $0x0  }
0xd2: {  	[sflag:s30] =	ssyncadd.s32 $0xFFFFC000  }
0xd3: {  	[bflag:$0x0] =	sbarrier.arrive $0xFFFF  }
0xd4: {  	[tilespmem:s31], [sflag:$0x6] =	stream.linear.gather [spmem:s8], $0x2000, $0x38;
	[tilespmem:$0x1FF80] =	vst v63  }
0xd5: {  	_ =	swait.ge [sflag:s1], $0x2000  }
0xd6: {  	[sflag:s1] =	ssyncset.done $0x0  }
0xd7: {  	[sflag:s1] =	ssyncadd.s32 $0xFFFFE000  }
0xd8: {  	[hbm4b:s13+s3] =	stream.linear.scatter [tilespmem:s31], [sflag:$0x5], $0x2000, $0x38;
	[tilespmem:$0x1FF80] =	vst v63  }
0xd9: {  	_ =	swait.ge [sflag:s18], $0x2000  }
0xda: {  	[sflag:s18] =	ssyncset.done $0x0  }
0xdb: {  	[sflag:s18] =	ssyncadd.s32 $0xFFFFE000  }
0xdc: {  	[tilespmem:s31], [sflag:$0x6] =	stream.linear.gather [spmem:s9], $0x2000, $0x38;
	[tilespmem:$0x1FF80] =	vst v63  }
0xdd: {  	_ =	swait.ge [sflag:s1], $0x2000  }
0xde: {  	[sflag:s1] =	ssyncset.done $0x0  }
0xdf: {  	[sflag:s1] =	ssyncadd.s32 $0xFFFFE000  }
0xe0: {  	[hbm4b:s14+s3] =	stream.linear.scatter [tilespmem:s31], [sflag:$0x5], $0x2000, $0x38;
	[tilespmem:$0x1FF80] =	vst v63  }
0xe1: {  	_ =	swait.ge [sflag:s18], $0x2000  }
0xe2: {  	[sflag:s18] =	ssyncset.done $0x0  }
0xe3: {  	[sflag:s18] =	ssyncadd.s32 $0xFFFFE000  }
0xe4: {  	[tilespmem:s31], [sflag:$0x6] =	stream.linear.gather [spmem:s10], $0x2000, $0x38;
	[tilespmem:$0x1FF80] =	vst v63  }
0xe5: {  	_ =	swait.ge [sflag:s1], $0x2000  }
0xe6: {  	[sflag:s1] =	ssyncset.done $0x0  }
0xe7: {  	[sflag:s1] =	ssyncadd.s32 $0xFFFFE000  }
0xe8: {  	[hbm4b:s15+s3] =	stream.linear.scatter [tilespmem:s31], [sflag:$0x5], $0x2000, $0x38;
	[tilespmem:$0x1FF80] =	vst v63  }
0xe9: {  	_ =	swait.ge [sflag:s18], $0x2000  }
0xea: {  	[sflag:s18] =	ssyncset.done $0x0  }
0xeb: {  	[sflag:s18] =	ssyncadd.s32 $0xFFFFE000  }
0xec: {  	[tilespmem:s31], [sflag:$0x6] =	stream.linear.gather [spmem:s11], $0x2000, $0x38;
	[tilespmem:$0x1FF80] =	vst v63  }
0xed: {  	_ =	swait.ge [sflag:s1], $0x2000  }
0xee: {  	[sflag:s1] =	ssyncset.done $0x0  }
0xef: {  	[sflag:s1] =	ssyncadd.s32 $0xFFFFE000  }
0xf0: {  	[hbm4b:s16+s3] =	stream.linear.scatter [tilespmem:s31], [sflag:$0x5], $0x2000, $0x38;
	[tilespmem:$0x1FF80] =	vst v63  }
0xf1: {  	_ =	swait.ge [sflag:s18], $0x2000  }
0xf2: {  	[sflag:s18] =	ssyncset.done $0x0  }
0xf3: {  	s5 =	simm.s32 @!p0 $0x14100;
	s6 =	simm.s32 @!p0 $0x6;
	[sflag:s18] =	ssyncadd.s32 $0xFFFFE000  }
0xf4: {  	[tilespmem:s5], [sflag:$0x6] =	stream.linear.gather @!p0 [spmem:s12], $0x2000, $0x38;
	[tilespmem:$0x1FF80] =	vst v63  }
0xf5: {  	_ =	swait.ge @!p0 [sflag:s6], $0x2000  }
0xf6: {  	s0 =	sadd.s32 $0x1, s0;
	[sflag:s6] =	ssyncset.done @!p0 $0x0  }
0xf7: {  	p1 =	sne.s32 s0, s7;
	[sflag:s6] =	ssyncadd.s32 @!p0 $0xFFFFE000;
	s6 =	simm.s32 @!p0 $0x0  }
0xf8: {  	[hbm4b:s17+s6] =	stream.linear.scatter @!p0 [tilespmem:s5], [sflag:$0x5], $0x2000, $0x38;
	[tilespmem:$0x1FF80] =	vst v63  }
.Ltmp2:
0xf9: {  	_ = 	snop;
	(pc) =	sbr.rel @p1 .LBB2_1-.Ltmp2, $4  }
0xfa: {  	s5 =	simm.s32 @!p0 $0x5  }
0xfb: {  	_ =	swait.ge @!p0 [sflag:s5], $0x2000  }
0xfc: {  	[sflag:s5] =	ssyncset.done @!p0 $0x0  }
0xfd: {  	[sflag:s5] =	ssyncadd.s32 @!p0 $0xFFFFE000  }
0xfe: {  	_ =	sfence.sel $0x180000  }
0xff: {  	[bflag:$0x0] =	sbarrier.arrive $0xFFFF  }
0x100: {  	_ =	strace $0x9000004A  }
0x101: {  	s0 =	stileid.u32;
	[bflag:$0x2] =	sbarrier.arrive $0xFFFF  }
0x102: {  	p0 =	sne.s32 s0, $0x0;
	s0 =	rddreg [dreg:$0x3]  }
0x103: {  	s0 =	sadd.s32 @!p0 $0x100000, s0  }
0x104: {  	[sflag:s0] =	ssyncadd.tile.s32 @!p0 $0x1;
	_ =	shalt  }
.Lfunc_end2:
_tile_overlayer_lowered:
.L_overlay_start_2:
0x105: {  	(tag) =	ssettag $0x2  }
0x106: {  	s0 =	rddreg [dreg:$0x0];
	s2 =	stileid.u32  }
0x107: {  	s1 =	rddreg [dreg:$0x1];
	p0 =	sne.s32 s2, $0x0  }
0x108: {  	s3 =	rddreg [dreg:$0x2];
	[bflag:$0x3] =	sbarrier.arrive $0xFFFF;
	s2 =	simm.s32 @!p0 $0x1C05  }
0x109: {  	[timem:s3], [sflag:s2] =	dma.local @!p0 [hbm:s0], s1  }
0x10a: {  	s0 =	simm.s32 @!p0 $0x5  }
0x10b: {  	_ =	swait.ge @!p0 [sflag:s0], s1  }
0x10c: {  	s1 =	ssub.s32 @!p0 $0x0, s1;
	[sflag:s0] =	ssyncset.done @!p0 $0x0  }
0x10d: {  	[sflag:s0] =	ssyncadd.s32 @!p0 s1  }
0x10e: {  	[bflag:$0x3] =	sbarrier.arrive $0xFFFF  }
0x10f: {  	_ =	shalt  }

// kernel: kernel.14.cloned.1.call-start
scs
__scs_entry_jumppad:
0x0: {  	(pc) =	sbr.rel $0x88, $3  }
0x1: {  	(tag) =	ssettag $0x0;
	lr =	simm.s32 $0x1  }
0x2: {  	[smem:$0x3F9B] =	sst lr;
	_ =	strace $0xD0000000  }
0x3: {  	_ = 	snop  }
0x4: {  	_ = 	snop  }
0x5: {  	_ = 	snop  }
0x6: {  	_ = 	snop  }
0x7: {  	_ = 	snop  }
__scs_overlays_trampoline_lowered:
0x8: {  	[smem:$0x3FAA] =	sst s0  }
0x9: {  	[smem:$0x3FAB] =	sst s1  }
0xa: {  	[smem:$0x3FAC] =	sst s2  }
0xb: {  	[smem:$0x3FAD] =	sst s3  }
0xc: {  	[smem:$0x3FAE] =	sst s4  }
0xd: {  	[smem:$0x3FAF] =	sst s5  }
0xe: {  	[smem:$0x3FB0] =	sst s6  }
0xf: {  	[smem:$0x3FB1] =	sst s7  }
0x10: {  	[smem:$0x3FB2] =	sst s8  }
0x11: {  	[smem:$0x3FB3] =	sst s9;
	s0 =	simm.s32 @!p0 $0x0  }
0x12: {  	s1 =	sld [smem:$0x3F99];
	s0 =	simm.s32 @p0 $0x1  }
0x13: {  	[smem:$0x3FB4] =	sst s0;
	s0 =	simm.s32 @!p1 $0x0  }
0x14: {  	s2 =	sld [smem:$0x3F98];
	s0 =	simm.s32 @p1 $0x1  }
0x15: {  	[smem:$0x3FB5] =	sst s0;
	s0 =	simm.s32 @!p2 $0x0  }
0x16: {  	s3 =	sld [smem:$0x3FDB];
	s0 =	simm.s32 @p2 $0x1  }
0x17: {  	s4 =	simm.s32 $0x1BF5;
	[smem:$0x3FB7] =	sst s0  }
0x18: {  	s0 =	sld [smem:$0x3F9A];
	_ =	swait.ge [sflag:s4], $0x0  }
0x19: {  	s7 =	sld [smem:$0x3F9B]  }
0x1a: {  	s8 =	sadd.s32 $0xFFFFE003, lr  }
0x1b: {  	s9 =	sadd.s32 $0xFFFFFEF7, lr;
	s5 =	simm.s32 $0xFFFFFFFF;
	p2 =	slt.u32 s8, $0xFFFFF086  }
0x1c: {  	p1 =	slt.u32 s9, $0xF7A;
	s5 =	simm.s32 @!p2 $0x0  }
0x1d: {  	s5 =	simm.s32 @p1 $0x1;
	p0 =	seq.s32 s7, s2  }
0x1e: {  	s7 =	smul.u32 @!p0 $0xF7A, s2;
	p2 =	seq.s32 @!p0 s5, $0x0  }
0x1f: {  	s9 =	smul.u32 $0xF7A, s1;
	s8 =	simm.s32 @!p0 $0x1BF5;
	p2 =	por !p2, p0  }
0x20: {  	[sflag:s8] =	ssyncset.s32 @!p0 $0xFFFFF086;
	s6 =	sadd.s32 @!p0 s3, s7;
	s7 =	simm.s32 @!p0 $0x108  }
0x21: {  	s3 =	sadd.s32 s3, s9;
	s6 =	sadd.s32 @!p0 $0x88, s6;
	s7 =	simm.s32 @p2 $0x1082  }
0x22: {  	[simem:s7], [sflag:s8] =	dma.local @!p0 [hbm:s6], $0xF7A  }
0x23: {  	s9 =	sor.u32 $0xD0000000, s2;
	s6 =	simm.s32 $0x108;
	_ =	swait.ge @!p0 [sflag:s8], $0x0  }
0x24: {  	s3 =	sadd.s32 $0x88, s3;
	s6 =	simm.s32 @!p1 $0x1082;
	[sflag:s4] =	ssyncset.s32 $0xFFFFF086  }
0x25: {  	[simem:s6], [sflag:s4] =	dma.local [hbm:s3], $0xF7A  }
0x26: {  	[smem:$0x3F9B] =	sst s1;
	(tag) =	ssettag s2;
	_ =	strace s9  }
0x27: {  	s1 =	sld [smem:$0x3FAB]  }
0x28: {  	s2 =	sld [smem:$0x3FAC]  }
0x29: {  	s4 =	sld [smem:$0x3FAE]  }
0x2a: {  	p0 =	seq.s32 s5, $0x0;
	s5 =	sld [smem:$0x3FAF]  }
0x2b: {  	s6 =	sld [smem:$0x3FB0]  }
0x2c: {  	s7 =	sld [smem:$0x3FB1]  }
0x2d: {  	s3 =	simm.s32 $0x108;
	s8 =	sld [smem:$0x3FB2]  }
0x2e: {  	s3 =	simm.s32 @!p0 $0x1082;
	s9 =	sld [smem:$0x3FB3]  }
0x2f: {  	lr =	sadd.s32 s0, s3;
	s0 =	sld [smem:$0x3FAA]  }
0x30: {  	s3 =	sld [smem:$0x3FAD]  }
0x31: {  	[smem:$0x3FB6] =	sst s10  }
0x32: {  	s10 =	sld [smem:$0x3FB4];
	_ =	sdelay $0x3  }
0x33: {  	p0 =	seq.s32 s10, $0x1;
	s10 =	sld [smem:$0x3FB6];
	_ =	sdelay $0x3  }
0x34: {  	[smem:$0x3FB6] =	sst s10  }
0x35: {  	s10 =	sld [smem:$0x3FB5];
	_ =	sdelay $0x3  }
0x36: {  	p1 =	seq.s32 s10, $0x1;
	s10 =	sld [smem:$0x3FB6];
	_ =	sdelay $0x3  }
0x37: {  	[smem:$0x3FB6] =	sst s10  }
0x38: {  	s10 =	sld [smem:$0x3FB7]  }
0x39: {  	_ = 	snop;
	(pc) =	sbr.ind lr, $3  }
0x3a: {  	_ = 	snop  }
0x3b: {  	_ = 	snop  }
0x3c: {  	p2 =	seq.s32 s10, $0x1;
	s10 =	sld [smem:$0x3FB6]  }
0x3d: {  	_ =	shalt  }
0x3e: {  	_ =	shalt  }
0x3f: {  	_ =	shalt  }
0x40: {  	_ =	shalt  }
0x41: {  	_ =	shalt  }
0x42: {  	_ =	shalt  }
0x43: {  	_ =	shalt  }
0x44: {  	_ =	shalt  }
0x45: {  	_ =	shalt  }
0x46: {  	_ =	shalt  }
0x47: {  	_ =	shalt  }
0x48: {  	_ =	shalt  }
0x49: {  	_ =	shalt  }
0x4a: {  	_ =	shalt  }
0x4b: {  	_ =	shalt  }
0x4c: {  	_ =	shalt  }
0x4d: {  	_ =	shalt  }
0x4e: {  	_ =	shalt  }
0x4f: {  	_ =	shalt  }
0x50: {  	_ =	shalt  }
0x51: {  	_ =	shalt  }
0x52: {  	_ =	shalt  }
0x53: {  	_ =	shalt  }
0x54: {  	_ =	shalt  }
0x55: {  	_ =	shalt  }
0x56: {  	_ =	shalt  }
0x57: {  	_ =	shalt  }
0x58: {  	_ =	shalt  }
0x59: {  	_ =	shalt  }
0x5a: {  	_ =	shalt  }
0x5b: {  	_ =	shalt  }
0x5c: {  	_ =	shalt  }
0x5d: {  	_ =	shalt  }
0x5e: {  	_ =	shalt  }
0x5f: {  	_ =	shalt  }
0x60: {  	_ =	shalt  }
0x61: {  	_ =	shalt  }
0x62: {  	_ =	shalt  }
0x63: {  	_ =	shalt  }
0x64: {  	_ =	shalt  }
0x65: {  	_ =	shalt  }
0x66: {  	_ =	shalt  }
0x67: {  	_ =	shalt  }
0x68: {  	_ =	shalt  }
0x69: {  	_ =	shalt  }
0x6a: {  	_ =	shalt  }
0x6b: {  	_ =	shalt  }
0x6c: {  	_ =	shalt  }
0x6d: {  	_ =	shalt  }
0x6e: {  	_ =	shalt  }
0x6f: {  	_ =	shalt  }
0x70: {  	_ =	shalt  }
0x71: {  	_ =	shalt  }
0x72: {  	_ =	shalt  }
0x73: {  	_ =	shalt  }
0x74: {  	_ =	shalt  }
0x75: {  	_ =	shalt  }
0x76: {  	_ =	shalt  }
0x77: {  	_ =	shalt  }
0x78: {  	_ =	shalt  }
0x79: {  	_ =	shalt  }
0x7a: {  	_ =	shalt  }
0x7b: {  	_ =	shalt  }
0x7c: {  	_ =	shalt  }
0x7d: {  	_ =	shalt  }
0x7e: {  	_ =	shalt  }
0x7f: {  	_ =	shalt  }
0x80: {  	_ =	shalt  }
0x81: {  	_ =	shalt  }
0x82: {  	_ =	shalt  }
0x83: {  	_ =	shalt  }
0x84: {  	_ =	shalt  }
0x85: {  	_ =	shalt  }
0x86: {  	_ =	shalt  }
0x87: {  	_ =	shalt  }
.Lfunc_end0:
.L_simem_size_0:
called_computation.2_lowered:
.L_overlay_start_0:
0x88: {  	s2 =	sld [smem:$0x3FD9]  }
0x89: {  	s3 =	sld [smem:$0x3FFE];
	_ =	sdelay $0x1  }
0x8a: {  	s1 =	srdreg.scid  }
0x8b: {  	s0 =	sand.u32 $0x1, s1  }
0x8c: {  	s14 =	sshll.u32 s0, $0xA;
	s2 =	sadd.s32 s3, s2  }
0x8d: {  	s2 =	sadd.s32 s2, s14  }
0x8e: {  	[smem:$0x3FC2] =	sst s2  }
0x8f: {  	_ = 	snop  }
0x90: {  	s2 =	sld [smem:$0x3FD0];
	_ =	sdelay $0x2  }
0x91: {  	s15 =	simm.s32 $0xA;
	s4 =	simm.s32 $0x10  }
0x92: {  	[smem:s4], [sflag:s15] =	dma.local [hbm:s2], $0x1  }
0x93: {  	_ =	swait.eq [sflag:s15], $0x1  }
0x94: {  	[sflag:s15] =	ssyncset.done $0x0  }
0x95: {  	[sflag:s15] =	ssyncadd.s32 $0xFFFFFFFF  }
0x96: {  	s16 =	sld [smem:$0x10];
	(tm) =	ssettm $0x1  }
0x97: {  	s17 =	sld [smem:$0x3FFB];
	_ =	sdelay $0x3  }
0x98: {  	_ =	strace s17  }
0x99: {  	s3 =	sld [smem:$0x3FFC];
	_ =	sdelay $0x3  }
0x9a: {  	_ =	strace s3  }
0x9b: {  	s3 =	sld [smem:$0x3FFD];
	_ =	sdelay $0x3  }
0x9c: {  	_ =	strace s3  }
0x9d: {  	_ =	strace $0x8FFFFFFF  }
0x9e: {  	s18 =	sld [smem:$0x3FDB];
	_ =	sdelay $0x1  }
0x9f: {  	s19 =	simm.s32 $_scs_section_size  }
0xa0: {  	s5 =	simm.s32 $_size__tile_overlayer_lowered;
	s6 =	simm.s32 $_tile_overlayer_lowered  }
0xa1: {  	s22 =	simm.s32 $0x1BFF;
	s21 =	sshll.u32 s6, $0x1;
	s3 =	sadd.s32 s19, s18  }
0xa2: {  	s7 =	simm.s32 $0x0;
	s20 =	sshll.u32 s5, $0x1;
	s5 =	sadd.s32 s21, s3  }
0xa3: {  	[timem:s7], [sflag:s22] =	dma.local [hbm:s5], s20  }
0xa4: {  	_ =	swait.ge [sflag:s22], s20  }
0xa5: {  	s4 =	ssub.s32 $0x0, s20;
	[sflag:s22] =	ssyncset.done $0x0  }
0xa6: {  	[sflag:s22] =	ssyncadd.s32 s4;
	_ =	sdelay $0x1  }
0xa7: {  	s23 =	simm.s32 $0x1B8B  }
0xa8: {  	_ =	swait.ge [sflag:s23], $0x1  }
0xa9: {  	[sflag:s23] =	ssyncset.done $0x0  }
0xaa: {  	s25 =	simm.s32 $0x1B8E;
	s24 =	sld [smem:$0x3FFE];
	[sflag:s23] =	ssyncadd.s32 $0xFFFFFFFF  }
0xab: {  	s26 =	simm.s32 $execute0_lowered;
	[smem:$0x3FD2] =	sst s25  }
0xac: {  	s5 =	sshll.u32 s26, $0x1;
	_ =	strace $0x8000004C;
	[dreg:$0x1] =	wrdreg $0xFFFFFFFF  }
0xad: {  	s28 =	simm.s32 $_size_execute0_lowered;
	s3 =	sadd.s32 s3, s5;
	[dreg:$0x0] =	wrdreg $0x0  }
0xae: {  	s5 =	sshll.u32 s28, $0x1;
	[dreg:$0x2] =	wrdreg s3  }
0xaf: {  	[dreg:$0x3] =	wrdreg s5  }
0xb0: {  	[dreg:$0x4] =	wrdreg $0xC0  }
0xb1: {  	_ =	task [dreg:s7], $0x5FFFF  }
0xb2: {  	[dreg:$0x1] =	wrdreg $0xFFFFFFFF  }
0xb3: {  	[dreg:$0x0] =	wrdreg $0x60  }
0xb4: {  	[dreg:$0x2] =	wrdreg s24  }
0xb5: {  	[dreg:$0x3] =	wrdreg s16  }
0xb6: {  	[dreg:$0x4] =	wrdreg $0x161000  }
0xb7: {  	[dreg:$0x5] =	wrdreg $0x9  }
0xb8: {  	_ =	task.clear_ibuf [dreg:s7], $0x6FFFF;
	_ =	strace $0x9000004C  }
0xb9: {  	s29 =	simm.s32 $0x9;
	_ =	strace $0x8000004E  }
0xba: {  	_ =	swait.ge [sflag:s29], $0x1  }
0xbb: {  	[sflag:s29] =	ssyncadd.s32 $0xFFFFFFFF  }
0xbc: {  	_ =	strace $0x9000004E  }
0xbd: {  	_ =	sfence  }
0xbe: {  	s30 =	sld [smem:$0x0];
	_ =	sdelay $0x2  }
0xbf: {  	s31 =	sshll.u32 s1, $0xD;
	s1 =	sshrl.u32 s1, $0x2  }
0xc0: {  	s3 =	sand.u32 $0x4000, s31;
	s1 =	sadd.s32 s1, s30  }
0xc1: {  	s0 =	sor.u32 s3, s0;
	s1 =	sshll.u32 s1, $0x11  }
0xc2: {  	s0 =	sor.u32 s1, s0  }
0xc3: {  	s0 =	sadd.s32 $0x8F2B, s0  }
0xc4: {  	[sflag:s0] =	ssyncadd.remote.s32 $0x1  }
0xc5: {  	_ =	sfence.sel $0xFFFF  }
0xc6: {  	[dreg:$0x0] =	wrdreg $0xFFFFFFFF;
	(pc) =	sbr.abs _section_cstart, $3  }
0xc7: {  	[dreg:$0x1] =	wrdreg $0xFFFFFFFF  }
0xc8: {  	_ =	task.clear_ibuf [dreg:s7], $0x2FFFF;
	_ =	strace $0x9FFFFFFF  }
0xc9: {  	(tm) =	ssettm $0x7FFFFFFF  }
tec
execute0_lowered:
.L_overlay_start_1:
0x0: {  	(tag) =	ssettag $0x1  }
0x1: {  	s0 =	rddreg [dreg:$0x0]  }
0x2: {  	s1 =	srdreg.scid;
	s5 =	rddreg [dreg:$0x1]  }
0x3: {  	s19 =	stileid.u32;
	s2 =	rddreg [dreg:$0x2];
	s3 =	simm.s32 $0x0  }
0x4: {  	s18 =	simm.s32 $0x5;
	s20 =	simm.s32 $0x12100;
	s21 =	simm.s32 $0x80  }
0x5: {  	s22 =	simm.s32 $0xA100;
	s28 =	simm.s32 $0xA080;
	s29 =	simm.s32 $0x3  }
0x6: {  	s30 =	simm.s32 $0x4;
	s31 =	simm.s32 $0x14100;
	s1 =	sand.u32 $0x1, s1  }
0x7: {  	s6 =	smul.u32 $0x5000, s19;
	[smem:$0x7FF] =	sst s3;
	s24 =	sshll.u32 s19, $0xD  }
0x8: {  	p0 =	seq.s32 s19, $0xF;
	s4 =	smul.u32 $0x50000, s1;
	_ =	strace $0x8000004D  }
0x9: {  	s8 =	ssub.s32 $0x2, s1;
	s1 =	smul.u32 $0x9E000, s1;
	s12 =	sor.u32 $0x20000, s24  }
0xa: {  	s15 =	sor.u32 $0x40000, s24;
	s16 =	sor.u32 $0x60000, s24;
	s17 =	sor.u32 $0x80000, s24  }
0xb: {  	s9 =	sshrl.u32 s8, $0x1;
	s10 =	sadd.s32 s15, s2;
	s11 =	sadd.s32 s16, s2  }
0xc: {  	s4 =	sadd.s32 s6, s4;
	s8 =	ssub.s32 s8, s9;
	s6 =	sshrl.u32 s6, $0x3  }
0xd: {  	s9 =	sadd.s32 s12, s2;
	s13 =	sadd.s32 s1, s12;
	s12 =	sadd.s32 s17, s2  }
0xe: {  	s25 =	sadd.s32 s1, s15;
	s16 =	sadd.s32 s1, s16;
	s7 =	sshrl.u32 s4, $0x3  }
0xf: {  	s4 =	sadd.s32 $0x16C00, s0;
	s5 =	sadd.s32 s5, s6;
	s14 =	sshrl.u32 s13, $0x3  }
0x10: {  	s26 =	sshrl.u32 s16, $0x3;
	s7 =	sadd.s32 s7, s0;
	s0 =	sadd.s32 $0x3EC00, s0  }
0x11: {  	[dreg:$0x4] =	wrdreg s5;
	s5 =	sadd.s32 s1, s24;
	s1 =	sadd.s32 s1, s17  }
0x12: {  	s23 =	sadd.s32 $0x2C00, s7;
	s7 =	smax.u32 s8, $0x1;
	s8 =	sadd.s32 s24, s2  }
0x13: {  	s5 =	sshrl.u32 s5, $0x3;
	s14 =	sadd.s32 s0, s14;
	s1 =	sshrl.u32 s1, $0x3  }
0x14: {  	s16 =	sadd.s32 s0, s26;
	s24 =	simm.s32 $0x1;
	s26 =	simm.s32 $0x2  }
0x15: {  	[dreg:$0x5] =	wrdreg s23;
	s13 =	sadd.s32 s0, s5;
	s5 =	sshrl.u32 s25, $0x3  }
0x16: {  	s17 =	sadd.s32 s0, s1;
	s23 =	simm.s32 $0xE100;
	s25 =	simm.s32 $0xA000  }
0x17: {  	v0 =	vimm.f32 $0.0e+00;
	s1 =	simm.s32 $0x6;
	s15 =	sadd.s32 s0, s5;
	s0 =	simm.s32 $0x0  }
.LBB2_1:
0x18: {  	s5 =	rddreg [dreg:$0x4]  }
0x19: {  	[tilespmem:s3], [sflag:$0x5] =	stream.linear.gather [hbm4b:s5+s3], $0x5000, $0x38;
	[tilespmem:$0x1FF80] =	vst v63  }
0x1a: {  	_ =	swait.ge [sflag:s18], $0x5000  }
0x1b: {  	[sflag:s18] =	ssyncset.done $0x0  }
0x1c: {  	s6 =	simm.s32 $0x5000;
	s19 =	rddreg [dreg:$0x5];
	[sflag:s18] =	ssyncadd.s32 $0xFFFFB000  }
0x1d: {  	[tilespmem:s6], [sflag:$0x5] =	stream.linear.gather [hbm4b:s19+s3], $0x5000, $0x38;
	[tilespmem:$0x1FF80] =	vst v63  }
0x1e: {  	_ =	swait.ge [sflag:s18], $0x5000  }
0x1f: {  	[sflag:s18] =	ssyncset.done $0x0  }
0x20: {  	s5 =	simm.s32 $0x0;
	s19 =	simm.s32 $0x200;
	[sflag:s18] =	ssyncadd.s32 $0xFFFFB000  }
.LBB2_2:
0x21: {  	p1 =	sne.s32 s19, $0x7E00;
	[tilespmem:s5+$0x12170] =	vst v0  }
0x22: {  	[tilespmem:s5+$0x12100] =	vst v0  }
0x23: {  	[tilespmem:s5+$0x12110] =	vst v0  }
.Ltmp0:
0x24: {  	[tilespmem:s5+$0x12120] =	vst v0;
	(pc) =	sbr.rel @p1 .LBB2_2-.Ltmp0, $4  }
0x25: {  	[tilespmem:s5+$0x12130] =	vst v0  }
0x26: {  	[tilespmem:s5+$0x12140] =	vst v0  }
0x27: {  	[tilespmem:s5+$0x12150] =	vst v0  }
0x28: {  	[tilespmem:s5+$0x12160] =	vst v0;
	s5 =	sshra.s32 s19, $0x2;
	s19 =	sadd.s32 $0x200, s19  }
0x29: {  	[tilespmem:s5+$0x12170] =	vst v0  }
0x2a: {  	[tilespmem:s5+$0x12100] =	vst v0  }
0x2b: {  	[tilespmem:s5+$0x12110] =	vst v0  }
0x2c: {  	[tilespmem:s5+$0x12120] =	vst v0  }
0x2d: {  	[tilespmem:s5+$0x12130] =	vst v0  }
0x2e: {  	[tilespmem:s5+$0x12140] =	vst v0  }
0x2f: {  	[tilespmem:s5+$0x12150] =	vst v0  }
0x30: {  	[tilespmem:s5+$0x12160] =	vst v0  }
0x31: {  	[spmem:s8] =	stream.linear.scatter [tilespmem:s20], [sflag:$0x5], $0x2000, $0x38;
	[tilespmem:$0x1FF80] =	vst v63  }
0x32: {  	_ =	swait.ge [sflag:s18], $0x2000  }
0x33: {  	[sflag:s18] =	ssyncset.done $0x0  }
0x34: {  	[sflag:s18] =	ssyncadd.s32 $0xFFFFE000  }
0x35: {  	[spmem:s9] =	stream.linear.scatter [tilespmem:s20], [sflag:$0x5], $0x2000, $0x38;
	[tilespmem:$0x1FF80] =	vst v63  }
0x36: {  	_ =	swait.ge [sflag:s18], $0x2000  }
0x37: {  	[sflag:s18] =	ssyncset.done $0x0  }
0x38: {  	[sflag:s18] =	ssyncadd.s32 $0xFFFFE000  }
0x39: {  	[spmem:s10] =	stream.linear.scatter [tilespmem:s20], [sflag:$0x5], $0x2000, $0x38;
	[tilespmem:$0x1FF80] =	vst v63  }
0x3a: {  	_ =	swait.ge [sflag:s18], $0x2000  }
0x3b: {  	[sflag:s18] =	ssyncset.done $0x0  }
0x3c: {  	[sflag:s18] =	ssyncadd.s32 $0xFFFFE000  }
0x3d: {  	[spmem:s11] =	stream.linear.scatter [tilespmem:s20], [sflag:$0x5], $0x2000, $0x38;
	[tilespmem:$0x1FF80] =	vst v63  }
0x3e: {  	_ =	swait.ge [sflag:s18], $0x2000  }
0x3f: {  	[sflag:s18] =	ssyncset.done $0x0  }
0x40: {  	s5 =	simm.s32 @!p0 $0x12100;
	[sflag:s18] =	ssyncadd.s32 $0xFFFFE000  }
0x41: {  	[spmem:s12] =	stream.linear.scatter @!p0 [tilespmem:s5], [sflag:$0x5], $0x2000, $0x38;
	[tilespmem:$0x1FF80] =	vst v63  }
0x42: {  	s5 =	simm.s32 @!p0 $0x5  }
0x43: {  	_ =	swait.ge @!p0 [sflag:s5], $0x2000  }
0x44: {  	[sflag:s5] =	ssyncset.done @!p0 $0x0  }
0x45: {  	[sflag:s5] =	ssyncadd.s32 @!p0 $0xFFFFE000  }
0x46: {  	s19 =	simm.s32 $0x0;
	[bflag:$0x0] =	sbarrier.arrive $0xFFFF  }
0x47: {  	[tilespmem:s22], [sflag:$0x1] =	stream.indirect.gather [hbm4b:s4+s21], $0x80, s19, s21, $0xb8;
	[tilespmem:$0x1FF80] =	vst v63  }
0x48: {  	_ = 	snop  }
0x49: {  	[tilespmem:s23], [sflag:$0x2] =	stream.indirect.gather [hbm4b:s4+s21], $0x80, s21, s21, $0xb8;
	[tilespmem:$0x1FF80] =	vst v63  }
0x4a: {  	_ =	swait.ge [sflag:s24], $0x4000  }
0x4b: {  	[sflag:s24] =	ssyncset.done $0x0  }
0x4c: {  	s6 =	simm.s32 $0x0;
	[sflag:s24] =	ssyncadd.s32 $0xFFFFC000  }
0x4d: {  	v1 =	vld [tilespmem:s6+$0x5000];
	_ =	sdelay $0x4  }
0x4e: {  	[tilespmem:$0xA000] =	vst v1  }
0x4f: {  	v1 =	vld [tilespmem:s6+$0x5010];
	_ =	sdelay $0x4  }
0x50: {  	[tilespmem:$0xA010] =	vst v1  }
0x51: {  	v1 =	vld [tilespmem:s6+$0x5020];
	_ =	sdelay $0x4  }
0x52: {  	[tilespmem:$0xA020] =	vst v1  }
0x53: {  	v1 =	vld [tilespmem:s6+$0x5030];
	_ =	sdelay $0x4  }
0x54: {  	[tilespmem:$0xA030] =	vst v1  }
0x55: {  	v1 =	vld [tilespmem:s6+$0x5040];
	_ =	sdelay $0x4  }
0x56: {  	[tilespmem:$0xA040] =	vst v1  }
0x57: {  	v1 =	vld [tilespmem:s6+$0x5050];
	_ =	sdelay $0x4  }
0x58: {  	[tilespmem:$0xA050] =	vst v1  }
0x59: {  	v1 =	vld [tilespmem:s6+$0x5060];
	_ =	sdelay $0x4  }
0x5a: {  	[tilespmem:$0xA060] =	vst v1  }
0x5b: {  	v1 =	vld [tilespmem:s6+$0x5070];
	_ =	sdelay $0x4  }
0x5c: {  	[tilespmem:$0xA070] =	vst v1  }
0x5d: {  	[spmem:s2] =	stream.indirect.scatter.add.f32 [tilespmem:s22], [sflag:$0x3], $0x80, s25, s21, $0xb8;
	[tilespmem:$0x1FF80] =	vst v63  }
0x5e: {  	_ =	swait.ge [sflag:s26], $0x4000  }
0x5f: {  	[sflag:s26] =	ssyncset.done $0x0  }
0x60: {  	[sflag:s26] =	ssyncadd.s32 $0xFFFFC000  }
0x61: {  	v1 =	vld [tilespmem:s6+$0x5080];
	_ =	sdelay $0x4  }
0x62: {  	[tilespmem:$0xA080] =	vst v1  }
0x63: {  	v1 =	vld [tilespmem:s6+$0x5090];
	_ =	sdelay $0x4  }
0x64: {  	[tilespmem:$0xA090] =	vst v1  }
0x65: {  	v1 =	vld [tilespmem:s6+$0x50A0];
	_ =	sdelay $0x4  }
0x66: {  	[tilespmem:$0xA0A0] =	vst v1  }
0x67: {  	v1 =	vld [tilespmem:s6+$0x50B0];
	_ =	sdelay $0x4  }
0x68: {  	[tilespmem:$0xA0B0] =	vst v1  }
0x69: {  	v1 =	vld [tilespmem:s6+$0x50C0];
	_ =	sdelay $0x4  }
0x6a: {  	[tilespmem:$0xA0C0] =	vst v1  }
0x6b: {  	v1 =	vld [tilespmem:s6+$0x50D0];
	_ =	sdelay $0x4  }
0x6c: {  	[tilespmem:$0xA0D0] =	vst v1  }
0x6d: {  	v1 =	vld [tilespmem:s6+$0x50E0];
	_ =	sdelay $0x4  }
0x6e: {  	[tilespmem:$0xA0E0] =	vst v1  }
0x6f: {  	v1 =	vld [tilespmem:s6+$0x50F0];
	_ =	sdelay $0x4  }
0x70: {  	[tilespmem:$0xA0F0] =	vst v1  }
0x71: {  	[spmem:s2] =	stream.indirect.scatter.add.f32 [tilespmem:s23], [sflag:$0x4], $0x80, s28, s21, $0xb8;
	[tilespmem:$0x1FF80] =	vst v63  }
0x72: {  	_ =	swait.ge [sflag:s29], $0x4000  }
0x73: {  	[sflag:s29] =	ssyncset.done $0x0  }
0x74: {  	s19 =	simm.s32 $0x100;
	[sflag:s29] =	ssyncadd.s32 $0xFFFFC000  }
0x75: {  	[tilespmem:s22], [sflag:$0x1] =	stream.indirect.gather [hbm4b:s4+s21], $0x80, s19, s21, $0xb8;
	[tilespmem:$0x1FF80] =	vst v63  }
0x76: {  	_ =	swait.ge [sflag:s30], $0x4000  }
0x77: {  	[sflag:s30] =	ssyncset.done $0x0  }
0x78: {  	s5 =	simm.s32 $0x180;
	s19 =	simm.s32 $0x400;
	[sflag:s30] =	ssyncadd.s32 $0xFFFFC000  }
.LBB2_4:
0x79: {  	[tilespmem:s23], [sflag:$0x2] =	stream.indirect.gather [hbm4b:s4+s21], $0x80, s5, s21, $0xb8;
	[tilespmem:$0x1FF80] =	vst v63  }
0x7a: {  	s5 =	smov.u32 s19  }
0x7b: {  	p1 =	sne.s32 s19, $0x13800;
	s19 =	sadd.s32 $0x400, s19;
	_ =	swait.ge [sflag:s24], $0x4000  }
0x7c: {  	[sflag:s24] =	ssyncset.done $0x0  }
0x7d: {  	s5 =	sshra.s32 s5, $0x2;
	[sflag:s24] =	ssyncadd.s32 $0xFFFFC000  }
0x7e: {  	v1 =	vld [tilespmem:s5+$0x5000];
	_ =	sdelay $0x4  }
0x7f: {  	[tilespmem:$0xA000] =	vst v1  }
0x80: {  	v1 =	vld [tilespmem:s5+$0x5010];
	_ =	sdelay $0x4  }
0x81: {  	[tilespmem:$0xA010] =	vst v1  }
0x82: {  	v1 =	vld [tilespmem:s5+$0x5020];
	_ =	sdelay $0x4  }
0x83: {  	[tilespmem:$0xA020] =	vst v1  }
0x84: {  	v1 =	vld [tilespmem:s5+$0x5030];
	_ =	sdelay $0x4  }
0x85: {  	[tilespmem:$0xA030] =	vst v1  }
0x86: {  	v1 =	vld [tilespmem:s5+$0x5040];
	_ =	sdelay $0x4  }
0x87: {  	[tilespmem:$0xA040] =	vst v1  }
0x88: {  	v1 =	vld [tilespmem:s5+$0x5050];
	_ =	sdelay $0x4  }
0x89: {  	[tilespmem:$0xA050] =	vst v1  }
0x8a: {  	v1 =	vld [tilespmem:s5+$0x5060];
	_ =	sdelay $0x4  }
0x8b: {  	[tilespmem:$0xA060] =	vst v1  }
0x8c: {  	v1 =	vld [tilespmem:s5+$0x5070];
	_ =	sdelay $0x4  }
0x8d: {  	[tilespmem:$0xA070] =	vst v1  }
0x8e: {  	[spmem:s2] =	stream.indirect.scatter.add.f32 [tilespmem:s22], [sflag:$0x3], $0x80, s25, s21, $0xb8;
	[tilespmem:$0x1FF80] =	vst v63  }
0x8f: {  	_ =	swait.ge [sflag:s26], $0x4000  }
0x90: {  	[sflag:s26] =	ssyncset.done $0x0  }
0x91: {  	[sflag:s26] =	ssyncadd.s32 $0xFFFFC000  }
0x92: {  	v1 =	vld [tilespmem:s5+$0x5080];
	_ =	sdelay $0x4  }
0x93: {  	[tilespmem:$0xA080] =	vst v1  }
0x94: {  	v1 =	vld [tilespmem:s5+$0x5090];
	_ =	sdelay $0x4  }
0x95: {  	[tilespmem:$0xA090] =	vst v1  }
0x96: {  	v1 =	vld [tilespmem:s5+$0x50A0];
	_ =	sdelay $0x4  }
0x97: {  	[tilespmem:$0xA0A0] =	vst v1  }
0x98: {  	v1 =	vld [tilespmem:s5+$0x50B0];
	_ =	sdelay $0x4  }
0x99: {  	[tilespmem:$0xA0B0] =	vst v1  }
0x9a: {  	v1 =	vld [tilespmem:s5+$0x50C0];
	_ =	sdelay $0x4  }
0x9b: {  	[tilespmem:$0xA0C0] =	vst v1  }
0x9c: {  	v1 =	vld [tilespmem:s5+$0x50D0];
	_ =	sdelay $0x4  }
0x9d: {  	[tilespmem:$0xA0D0] =	vst v1  }
0x9e: {  	v1 =	vld [tilespmem:s5+$0x50E0];
	_ =	sdelay $0x4  }
0x9f: {  	[tilespmem:$0xA0E0] =	vst v1  }
0xa0: {  	v1 =	vld [tilespmem:s5+$0x50F0];
	_ =	sdelay $0x4  }
0xa1: {  	[tilespmem:$0xA0F0] =	vst v1  }
0xa2: {  	[spmem:s2] =	stream.indirect.scatter.add.f32 [tilespmem:s23], [sflag:$0x4], $0x80, s28, s21, $0xb8;
	[tilespmem:$0x1FF80] =	vst v63  }
0xa3: {  	_ =	swait.ge [sflag:s29], $0x4000  }
0xa4: {  	[sflag:s29] =	ssyncset.done $0x0  }
.Ltmp1:
0xa5: {  	s6 =	sadd.s32 $0x100, s5;
	[sflag:s29] =	ssyncadd.s32 $0xFFFFC000;
	(pc) =	sbr.rel @p1 .LBB2_4-.Ltmp1, $4  }
0xa6: {  	[tilespmem:s22], [sflag:$0x1] =	stream.indirect.gather [hbm4b:s4+s21], $0x80, s6, s21, $0xb8;
	[tilespmem:$0x1FF80] =	vst v63  }
0xa7: {  	_ =	swait.ge [sflag:s30], $0x4000  }
0xa8: {  	[sflag:s30] =	ssyncset.done $0x0  }
0xa9: {  	s5 =	sadd.s32 $0x180, s5;
	[sflag:s30] =	ssyncadd.s32 $0xFFFFC000  }
0xaa: {  	[tilespmem:s23], [sflag:$0x2] =	stream.indirect.gather [hbm4b:s4+s21], $0x80, s5, s21, $0xb8;
	[tilespmem:$0x1FF80] =	vst v63  }
0xab: {  	_ =	swait.ge [sflag:s24], $0x4000  }
0xac: {  	[sflag:s24] =	ssyncset.done $0x0  }
0xad: {  	[sflag:s24] =	ssyncadd.s32 $0xFFFFC000  }
0xae: {  	v1 =	vld [tilespmem:$0x9F00]  }
0xaf: {  	v2 =	vld [tilespmem:$0x9F10]  }
0xb0: {  	v3 =	vld [tilespmem:$0x9F20]  }
0xb1: {  	v4 =	vld [tilespmem:$0x9F30]  }
0xb2: {  	v5 =	vld [tilespmem:$0x9F40]  }
0xb3: {  	[tilespmem:$0xA000] =	vst v1;
	v1 =	vld [tilespmem:$0x9F50]  }
0xb4: {  	[tilespmem:$0xA010] =	vst v2;
	v2 =	vld [tilespmem:$0x9F60]  }
0xb5: {  	[tilespmem:$0xA020] =	vst v3;
	v3 =	vld [tilespmem:$0x9F70]  }
0xb6: {  	[tilespmem:$0xA030] =	vst v4  }
0xb7: {  	[tilespmem:$0xA040] =	vst v5  }
0xb8: {  	[tilespmem:$0xA050] =	vst v1  }
0xb9: {  	[tilespmem:$0xA060] =	vst v2  }
0xba: {  	[tilespmem:$0xA070] =	vst v3  }
0xbb: {  	[spmem:s2] =	stream.indirect.scatter.add.f32 [tilespmem:s22], [sflag:$0x3], $0x80, s25, s21, $0xb8;
	[tilespmem:$0x1FF80] =	vst v63  }
0xbc: {  	_ =	swait.ge [sflag:s26], $0x4000  }
0xbd: {  	[sflag:s26] =	ssyncset.done $0x0  }
0xbe: {  	[sflag:s26] =	ssyncadd.s32 $0xFFFFC000  }
0xbf: {  	v1 =	vld [tilespmem:$0x9F80]  }
0xc0: {  	v2 =	vld [tilespmem:$0x9F90]  }
0xc1: {  	v3 =	vld [tilespmem:$0x9FA0]  }
0xc2: {  	v62 =	vld [tilespmem:$0x9FB0]  }
0xc3: {  	v63 =	vld [tilespmem:$0x9FC0]  }
0xc4: {  	[tilespmem:$0xA080] =	vst v1;
	v1 =	vld [tilespmem:$0x9FD0]  }
0xc5: {  	[tilespmem:$0xA090] =	vst v2;
	v2 =	vld [tilespmem:$0x9FE0]  }
0xc6: {  	[tilespmem:$0xA0A0] =	vst v3;
	v3 =	vld [tilespmem:$0x9FF0]  }
0xc7: {  	[tilespmem:$0xA0B0] =	vst v62  }
0xc8: {  	[tilespmem:$0xA0C0] =	vst v63  }
0xc9: {  	[tilespmem:$0xA0D0] =	vst v1  }
0xca: {  	[tilespmem:$0xA0E0] =	vst v2  }
0xcb: {  	[tilespmem:$0xA0F0] =	vst v3  }
0xcc: {  	[spmem:s2] =	stream.indirect.scatter.add.f32 [tilespmem:s23], [sflag:$0x4], $0x80, s28, s21, $0xb8;
	[tilespmem:$0x1FF80] =	vst v63  }
0xcd: {  	_ =	swait.ge [sflag:s29], $0x4000  }
0xce: {  	[sflag:s29] =	ssyncset.done $0x0  }
0xcf: {  	[sflag:s29] =	ssyncadd.s32 $0xFFFFC000  }
0xd0: {  	_ =	swait.ge [sflag:s30], $0x4000  }
0xd1: {  	[sflag:s30] =	ssyncset.done $0x0  }
0xd2: {  	[sflag:s30] =	ssyncadd.s32 $0xFFFFC000  }
0xd3: {  	[bflag:$0x0] =	sbarrier.arrive $0xFFFF  }
0xd4: {  	[tilespmem:s31], [sflag:$0x6] =	stream.linear.gather [spmem:s8], $0x2000, $0x38;
	[tilespmem:$0x1FF80] =	vst v63  }
0xd5: {  	_ =	swait.ge [sflag:s1], $0x2000  }
0xd6: {  	[sflag:s1] =	ssyncset.done $0x0  }
0xd7: {  	[sflag:s1] =	ssyncadd.s32 $0xFFFFE000  }
0xd8: {  	[hbm4b:s13+s3] =	stream.linear.scatter [tilespmem:s31], [sflag:$0x5], $0x2000, $0x38;
	[tilespmem:$0x1FF80] =	vst v63  }
0xd9: {  	_ =	swait.ge [sflag:s18], $0x2000  }
0xda: {  	[sflag:s18] =	ssyncset.done $0x0  }
0xdb: {  	[sflag:s18] =	ssyncadd.s32 $0xFFFFE000  }
0xdc: {  	[tilespmem:s31], [sflag:$0x6] =	stream.linear.gather [spmem:s9], $0x2000, $0x38;
	[tilespmem:$0x1FF80] =	vst v63  }
0xdd: {  	_ =	swait.ge [sflag:s1], $0x2000  }
0xde: {  	[sflag:s1] =	ssyncset.done $0x0  }
0xdf: {  	[sflag:s1] =	ssyncadd.s32 $0xFFFFE000  }
0xe0: {  	[hbm4b:s14+s3] =	stream.linear.scatter [tilespmem:s31], [sflag:$0x5], $0x2000, $0x38;
	[tilespmem:$0x1FF80] =	vst v63  }
0xe1: {  	_ =	swait.ge [sflag:s18], $0x2000  }
0xe2: {  	[sflag:s18] =	ssyncset.done $0x0  }
0xe3: {  	[sflag:s18] =	ssyncadd.s32 $0xFFFFE000  }
0xe4: {  	[tilespmem:s31], [sflag:$0x6] =	stream.linear.gather [spmem:s10], $0x2000, $0x38;
	[tilespmem:$0x1FF80] =	vst v63  }
0xe5: {  	_ =	swait.ge [sflag:s1], $0x2000  }
0xe6: {  	[sflag:s1] =	ssyncset.done $0x0  }
0xe7: {  	[sflag:s1] =	ssyncadd.s32 $0xFFFFE000  }
0xe8: {  	[hbm4b:s15+s3] =	stream.linear.scatter [tilespmem:s31], [sflag:$0x5], $0x2000, $0x38;
	[tilespmem:$0x1FF80] =	vst v63  }
0xe9: {  	_ =	swait.ge [sflag:s18], $0x2000  }
0xea: {  	[sflag:s18] =	ssyncset.done $0x0  }
0xeb: {  	[sflag:s18] =	ssyncadd.s32 $0xFFFFE000  }
0xec: {  	[tilespmem:s31], [sflag:$0x6] =	stream.linear.gather [spmem:s11], $0x2000, $0x38;
	[tilespmem:$0x1FF80] =	vst v63  }
0xed: {  	_ =	swait.ge [sflag:s1], $0x2000  }
0xee: {  	[sflag:s1] =	ssyncset.done $0x0  }
0xef: {  	[sflag:s1] =	ssyncadd.s32 $0xFFFFE000  }
0xf0: {  	[hbm4b:s16+s3] =	stream.linear.scatter [tilespmem:s31], [sflag:$0x5], $0x2000, $0x38;
	[tilespmem:$0x1FF80] =	vst v63  }
0xf1: {  	_ =	swait.ge [sflag:s18], $0x2000  }
0xf2: {  	[sflag:s18] =	ssyncset.done $0x0  }
0xf3: {  	s5 =	simm.s32 @!p0 $0x14100;
	s6 =	simm.s32 @!p0 $0x6;
	[sflag:s18] =	ssyncadd.s32 $0xFFFFE000  }
0xf4: {  	[tilespmem:s5], [sflag:$0x6] =	stream.linear.gather @!p0 [spmem:s12], $0x2000, $0x38;
	[tilespmem:$0x1FF80] =	vst v63  }
0xf5: {  	_ =	swait.ge @!p0 [sflag:s6], $0x2000  }
0xf6: {  	s0 =	sadd.s32 $0x1, s0;
	[sflag:s6] =	ssyncset.done @!p0 $0x0  }
0xf7: {  	p1 =	sne.s32 s0, s7;
	[sflag:s6] =	ssyncadd.s32 @!p0 $0xFFFFE000;
	s6 =	simm.s32 @!p0 $0x0  }
0xf8: {  	[hbm4b:s17+s6] =	stream.linear.scatter @!p0 [tilespmem:s5], [sflag:$0x5], $0x2000, $0x38;
	[tilespmem:$0x1FF80] =	vst v63  }
.Ltmp2:
0xf9: {  	_ = 	snop;
	(pc) =	sbr.rel @p1 .LBB2_1-.Ltmp2, $4  }
0xfa: {  	s5 =	simm.s32 @!p0 $0x5  }
0xfb: {  	_ =	swait.ge @!p0 [sflag:s5], $0x2000  }
0xfc: {  	[sflag:s5] =	ssyncset.done @!p0 $0x0  }
0xfd: {  	[sflag:s5] =	ssyncadd.s32 @!p0 $0xFFFFE000  }
0xfe: {  	_ =	sfence.sel $0x180000  }
0xff: {  	[bflag:$0x0] =	sbarrier.arrive $0xFFFF  }
0x100: {  	_ =	strace $0x9000004D  }
0x101: {  	s0 =	stileid.u32;
	[bflag:$0x2] =	sbarrier.arrive $0xFFFF  }
0x102: {  	p0 =	sne.s32 s0, $0x0;
	s0 =	rddreg [dreg:$0x3]  }
0x103: {  	s0 =	sadd.s32 @!p0 $0x100000, s0  }
0x104: {  	[sflag:s0] =	ssyncadd.tile.s32 @!p0 $0x1;
	_ =	shalt  }
.Lfunc_end2:
_tile_overlayer_lowered:
.L_overlay_start_2:
0x105: {  	(tag) =	ssettag $0x2  }
0x106: {  	s0 =	rddreg [dreg:$0x0];
	s2 =	stileid.u32  }
0x107: {  	s1 =	rddreg [dreg:$0x1];
	p0 =	sne.s32 s2, $0x0  }
0x108: {  	s3 =	rddreg [dreg:$0x2];
	[bflag:$0x3] =	sbarrier.arrive $0xFFFF;
	s2 =	simm.s32 @!p0 $0x1C05  }
0x109: {  	[timem:s3], [sflag:s2] =	dma.local @!p0 [hbm:s0], s1  }
0x10a: {  	s0 =	simm.s32 @!p0 $0x5  }
0x10b: {  	_ =	swait.ge @!p0 [sflag:s0], s1  }
0x10c: {  	s1 =	ssub.s32 @!p0 $0x0, s1;
	[sflag:s0] =	ssyncset.done @!p0 $0x0  }
0x10d: {  	[sflag:s0] =	ssyncadd.s32 @!p0 s1  }
0x10e: {  	[bflag:$0x3] =	sbarrier.arrive $0xFFFF  }
0x10f: {  	_ =	shalt  }

// kernel: kernel.8.cloned.1.call-start
scs
__scs_entry_jumppad:
0x0: {  	(pc) =	sbr.rel $0x88, $3  }
0x1: {  	(tag) =	ssettag $0x0;
	lr =	simm.s32 $0x1  }
0x2: {  	[smem:$0x3F9B] =	sst lr;
	_ =	strace $0xD0000000  }
0x3: {  	_ = 	snop  }
0x4: {  	_ = 	snop  }
0x5: {  	_ = 	snop  }
0x6: {  	_ = 	snop  }
0x7: {  	_ = 	snop  }
__scs_overlays_trampoline_lowered:
0x8: {  	[smem:$0x3FAA] =	sst s0  }
0x9: {  	[smem:$0x3FAB] =	sst s1  }
0xa: {  	[smem:$0x3FAC] =	sst s2  }
0xb: {  	[smem:$0x3FAD] =	sst s3  }
0xc: {  	[smem:$0x3FAE] =	sst s4  }
0xd: {  	[smem:$0x3FAF] =	sst s5  }
0xe: {  	[smem:$0x3FB0] =	sst s6  }
0xf: {  	[smem:$0x3FB1] =	sst s7  }
0x10: {  	[smem:$0x3FB2] =	sst s8  }
0x11: {  	[smem:$0x3FB3] =	sst s9;
	s0 =	simm.s32 @!p0 $0x0  }
0x12: {  	s1 =	sld [smem:$0x3F99];
	s0 =	simm.s32 @p0 $0x1  }
0x13: {  	[smem:$0x3FB4] =	sst s0;
	s0 =	simm.s32 @!p1 $0x0  }
0x14: {  	s2 =	sld [smem:$0x3F98];
	s0 =	simm.s32 @p1 $0x1  }
0x15: {  	[smem:$0x3FB5] =	sst s0;
	s0 =	simm.s32 @!p2 $0x0  }
0x16: {  	s3 =	sld [smem:$0x3FDB];
	s0 =	simm.s32 @p2 $0x1  }
0x17: {  	s4 =	simm.s32 $0x1BF5;
	[smem:$0x3FB7] =	sst s0  }
0x18: {  	s0 =	sld [smem:$0x3F9A];
	_ =	swait.ge [sflag:s4], $0x0  }
0x19: {  	s7 =	sld [smem:$0x3F9B]  }
0x1a: {  	s8 =	sadd.s32 $0xFFFFE003, lr  }
0x1b: {  	s9 =	sadd.s32 $0xFFFFFEF7, lr;
	s5 =	simm.s32 $0xFFFFFFFF;
	p2 =	slt.u32 s8, $0xFFFFF086  }
0x1c: {  	p1 =	slt.u32 s9, $0xF7A;
	s5 =	simm.s32 @!p2 $0x0  }
0x1d: {  	s5 =	simm.s32 @p1 $0x1;
	p0 =	seq.s32 s7, s2  }
0x1e: {  	s7 =	smul.u32 @!p0 $0xF7A, s2;
	p2 =	seq.s32 @!p0 s5, $0x0  }
0x1f: {  	s9 =	smul.u32 $0xF7A, s1;
	s8 =	simm.s32 @!p0 $0x1BF5;
	p2 =	por !p2, p0  }
0x20: {  	[sflag:s8] =	ssyncset.s32 @!p0 $0xFFFFF086;
	s6 =	sadd.s32 @!p0 s3, s7;
	s7 =	simm.s32 @!p0 $0x108  }
0x21: {  	s3 =	sadd.s32 s3, s9;
	s6 =	sadd.s32 @!p0 $0x88, s6;
	s7 =	simm.s32 @p2 $0x1082  }
0x22: {  	[simem:s7], [sflag:s8] =	dma.local @!p0 [hbm:s6], $0xF7A  }
0x23: {  	s9 =	sor.u32 $0xD0000000, s2;
	s6 =	simm.s32 $0x108;
	_ =	swait.ge @!p0 [sflag:s8], $0x0  }
0x24: {  	s3 =	sadd.s32 $0x88, s3;
	s6 =	simm.s32 @!p1 $0x1082;
	[sflag:s4] =	ssyncset.s32 $0xFFFFF086  }
0x25: {  	[simem:s6], [sflag:s4] =	dma.local [hbm:s3], $0xF7A  }
0x26: {  	[smem:$0x3F9B] =	sst s1;
	(tag) =	ssettag s2;
	_ =	strace s9  }
0x27: {  	s1 =	sld [smem:$0x3FAB]  }
0x28: {  	s2 =	sld [smem:$0x3FAC]  }
0x29: {  	s4 =	sld [smem:$0x3FAE]  }
0x2a: {  	p0 =	seq.s32 s5, $0x0;
	s5 =	sld [smem:$0x3FAF]  }
0x2b: {  	s6 =	sld [smem:$0x3FB0]  }
0x2c: {  	s7 =	sld [smem:$0x3FB1]  }
0x2d: {  	s3 =	simm.s32 $0x108;
	s8 =	sld [smem:$0x3FB2]  }
0x2e: {  	s3 =	simm.s32 @!p0 $0x1082;
	s9 =	sld [smem:$0x3FB3]  }
0x2f: {  	lr =	sadd.s32 s0, s3;
	s0 =	sld [smem:$0x3FAA]  }
0x30: {  	s3 =	sld [smem:$0x3FAD]  }
0x31: {  	[smem:$0x3FB6] =	sst s10  }
0x32: {  	s10 =	sld [smem:$0x3FB4];
	_ =	sdelay $0x3  }
0x33: {  	p0 =	seq.s32 s10, $0x1;
	s10 =	sld [smem:$0x3FB6];
	_ =	sdelay $0x3  }
0x34: {  	[smem:$0x3FB6] =	sst s10  }
0x35: {  	s10 =	sld [smem:$0x3FB5];
	_ =	sdelay $0x3  }
0x36: {  	p1 =	seq.s32 s10, $0x1;
	s10 =	sld [smem:$0x3FB6];
	_ =	sdelay $0x3  }
0x37: {  	[smem:$0x3FB6] =	sst s10  }
0x38: {  	s10 =	sld [smem:$0x3FB7]  }
0x39: {  	_ = 	snop;
	(pc) =	sbr.ind lr, $3  }
0x3a: {  	_ = 	snop  }
0x3b: {  	_ = 	snop  }
0x3c: {  	p2 =	seq.s32 s10, $0x1;
	s10 =	sld [smem:$0x3FB6]  }
0x3d: {  	_ =	shalt  }
0x3e: {  	_ =	shalt  }
0x3f: {  	_ =	shalt  }
0x40: {  	_ =	shalt  }
0x41: {  	_ =	shalt  }
0x42: {  	_ =	shalt  }
0x43: {  	_ =	shalt  }
0x44: {  	_ =	shalt  }
0x45: {  	_ =	shalt  }
0x46: {  	_ =	shalt  }
0x47: {  	_ =	shalt  }
0x48: {  	_ =	shalt  }
0x49: {  	_ =	shalt  }
0x4a: {  	_ =	shalt  }
0x4b: {  	_ =	shalt  }
0x4c: {  	_ =	shalt  }
0x4d: {  	_ =	shalt  }
0x4e: {  	_ =	shalt  }
0x4f: {  	_ =	shalt  }
0x50: {  	_ =	shalt  }
0x51: {  	_ =	shalt  }
0x52: {  	_ =	shalt  }
0x53: {  	_ =	shalt  }
0x54: {  	_ =	shalt  }
0x55: {  	_ =	shalt  }
0x56: {  	_ =	shalt  }
0x57: {  	_ =	shalt  }
0x58: {  	_ =	shalt  }
0x59: {  	_ =	shalt  }
0x5a: {  	_ =	shalt  }
0x5b: {  	_ =	shalt  }
0x5c: {  	_ =	shalt  }
0x5d: {  	_ =	shalt  }
0x5e: {  	_ =	shalt  }
0x5f: {  	_ =	shalt  }
0x60: {  	_ =	shalt  }
0x61: {  	_ =	shalt  }
0x62: {  	_ =	shalt  }
0x63: {  	_ =	shalt  }
0x64: {  	_ =	shalt  }
0x65: {  	_ =	shalt  }
0x66: {  	_ =	shalt  }
0x67: {  	_ =	shalt  }
0x68: {  	_ =	shalt  }
0x69: {  	_ =	shalt  }
0x6a: {  	_ =	shalt  }
0x6b: {  	_ =	shalt  }
0x6c: {  	_ =	shalt  }
0x6d: {  	_ =	shalt  }
0x6e: {  	_ =	shalt  }
0x6f: {  	_ =	shalt  }
0x70: {  	_ =	shalt  }
0x71: {  	_ =	shalt  }
0x72: {  	_ =	shalt  }
0x73: {  	_ =	shalt  }
0x74: {  	_ =	shalt  }
0x75: {  	_ =	shalt  }
0x76: {  	_ =	shalt  }
0x77: {  	_ =	shalt  }
0x78: {  	_ =	shalt  }
0x79: {  	_ =	shalt  }
0x7a: {  	_ =	shalt  }
0x7b: {  	_ =	shalt  }
0x7c: {  	_ =	shalt  }
0x7d: {  	_ =	shalt  }
0x7e: {  	_ =	shalt  }
0x7f: {  	_ =	shalt  }
0x80: {  	_ =	shalt  }
0x81: {  	_ =	shalt  }
0x82: {  	_ =	shalt  }
0x83: {  	_ =	shalt  }
0x84: {  	_ =	shalt  }
0x85: {  	_ =	shalt  }
0x86: {  	_ =	shalt  }
0x87: {  	_ =	shalt  }
.Lfunc_end0:
.L_simem_size_0:
called_computation_lowered:
.L_overlay_start_0:
0x88: {  	s2 =	sld [smem:$0x3FD9]  }
0x89: {  	s3 =	sld [smem:$0x3FFE];
	_ =	sdelay $0x1  }
0x8a: {  	s1 =	srdreg.scid  }
0x8b: {  	s0 =	sand.u32 $0x1, s1  }
0x8c: {  	s14 =	sshll.u32 s0, $0xA;
	s2 =	sadd.s32 s3, s2  }
0x8d: {  	s2 =	sadd.s32 s2, s14  }
0x8e: {  	[smem:$0x3FC2] =	sst s2  }
0x8f: {  	_ = 	snop  }
0x90: {  	s2 =	sld [smem:$0x3FD0];
	_ =	sdelay $0x2  }
0x91: {  	s15 =	simm.s32 $0xA;
	s4 =	simm.s32 $0x10  }
0x92: {  	[smem:s4], [sflag:s15] =	dma.local [hbm:s2], $0x1  }
0x93: {  	_ =	swait.eq [sflag:s15], $0x1  }
0x94: {  	[sflag:s15] =	ssyncset.done $0x0  }
0x95: {  	[sflag:s15] =	ssyncadd.s32 $0xFFFFFFFF  }
0x96: {  	s16 =	sld [smem:$0x11];
	(tm) =	ssettm $0x1  }
0x97: {  	s17 =	sld [smem:$0x3FFB];
	_ =	sdelay $0x3  }
0x98: {  	_ =	strace s17  }
0x99: {  	s3 =	sld [smem:$0x3FFC];
	_ =	sdelay $0x3  }
0x9a: {  	_ =	strace s3  }
0x9b: {  	s3 =	sld [smem:$0x3FFD];
	_ =	sdelay $0x3  }
0x9c: {  	_ =	strace s3  }
0x9d: {  	_ =	strace $0x8FFFFFFF  }
0x9e: {  	s18 =	sld [smem:$0x3FDB];
	_ =	sdelay $0x1  }
0x9f: {  	s19 =	simm.s32 $_scs_section_size  }
0xa0: {  	s5 =	simm.s32 $_size__tile_overlayer_lowered;
	s6 =	simm.s32 $_tile_overlayer_lowered  }
0xa1: {  	s22 =	simm.s32 $0x1BFF;
	s21 =	sshll.u32 s6, $0x1;
	s3 =	sadd.s32 s19, s18  }
0xa2: {  	s7 =	simm.s32 $0x0;
	s20 =	sshll.u32 s5, $0x1;
	s5 =	sadd.s32 s21, s3  }
0xa3: {  	[timem:s7], [sflag:s22] =	dma.local [hbm:s5], s20  }
0xa4: {  	_ =	swait.ge [sflag:s22], s20  }
0xa5: {  	s4 =	ssub.s32 $0x0, s20;
	[sflag:s22] =	ssyncset.done $0x0  }
0xa6: {  	[sflag:s22] =	ssyncadd.s32 s4;
	_ =	sdelay $0x1  }
0xa7: {  	s23 =	simm.s32 $0x1B8B  }
0xa8: {  	_ =	swait.ge [sflag:s23], $0x1  }
0xa9: {  	[sflag:s23] =	ssyncset.done $0x0  }
0xaa: {  	s25 =	simm.s32 $0x1B8E;
	s24 =	sld [smem:$0x3FFE];
	[sflag:s23] =	ssyncadd.s32 $0xFFFFFFFF  }
0xab: {  	s26 =	simm.s32 $execute0_lowered;
	[smem:$0x3FD2] =	sst s25  }
0xac: {  	s5 =	sshll.u32 s26, $0x1;
	_ =	strace $0x80000046;
	[dreg:$0x1] =	wrdreg $0xFFFFFFFF  }
0xad: {  	s28 =	simm.s32 $_size_execute0_lowered;
	s3 =	sadd.s32 s3, s5;
	[dreg:$0x0] =	wrdreg $0x0  }
0xae: {  	s5 =	sshll.u32 s28, $0x1;
	[dreg:$0x2] =	wrdreg s3  }
0xaf: {  	[dreg:$0x3] =	wrdreg s5  }
0xb0: {  	[dreg:$0x4] =	wrdreg $0xC0  }
0xb1: {  	_ =	task [dreg:s7], $0x5FFFF  }
0xb2: {  	[dreg:$0x1] =	wrdreg $0xFFFFFFFF  }
0xb3: {  	[dreg:$0x0] =	wrdreg $0x60  }
0xb4: {  	[dreg:$0x2] =	wrdreg s24  }
0xb5: {  	[dreg:$0x3] =	wrdreg s16  }
0xb6: {  	[dreg:$0x4] =	wrdreg $0xD0800  }
0xb7: {  	[dreg:$0x5] =	wrdreg $0x9  }
0xb8: {  	_ =	task.clear_ibuf [dreg:s7], $0x6FFFF;
	_ =	strace $0x90000046  }
0xb9: {  	s29 =	simm.s32 $0x9;
	_ =	strace $0x80000048  }
0xba: {  	_ =	swait.ge [sflag:s29], $0x1  }
0xbb: {  	[sflag:s29] =	ssyncadd.s32 $0xFFFFFFFF  }
0xbc: {  	_ =	strace $0x90000048  }
0xbd: {  	_ =	sfence  }
0xbe: {  	s30 =	sld [smem:$0x0];
	_ =	sdelay $0x2  }
0xbf: {  	s31 =	sshll.u32 s1, $0xD;
	s1 =	sshrl.u32 s1, $0x2  }
0xc0: {  	s3 =	sand.u32 $0x4000, s31;
	s1 =	sadd.s32 s1, s30  }
0xc1: {  	s0 =	sor.u32 s3, s0;
	s1 =	sshll.u32 s1, $0x11  }
0xc2: {  	s0 =	sor.u32 s1, s0  }
0xc3: {  	s0 =	sadd.s32 $0x8F2B, s0  }
0xc4: {  	[sflag:s0] =	ssyncadd.remote.s32 $0x1  }
0xc5: {  	_ =	sfence.sel $0xFFFF  }
0xc6: {  	[dreg:$0x0] =	wrdreg $0xFFFFFFFF;
	(pc) =	sbr.abs _section_cstart, $3  }
0xc7: {  	[dreg:$0x1] =	wrdreg $0xFFFFFFFF  }
0xc8: {  	_ =	task.clear_ibuf [dreg:s7], $0x2FFFF;
	_ =	strace $0x9FFFFFFF  }
0xc9: {  	(tm) =	ssettm $0x7FFFFFFF  }
tec
execute0_lowered:
.L_overlay_start_1:
0x0: {  	(tag) =	ssettag $0x1  }
0x1: {  	s5 =	rddreg [dreg:$0x0]  }
0x2: {  	s2 =	rddreg [dreg:$0x1]  }
0x3: {  	s3 =	rddreg [dreg:$0x2]  }
0x4: {  	s0 =	srdreg.scid;
	s1 =	rddreg [dreg:$0x3]  }
0x5: {  	s4 =	simm.s32 $0x0;
	s20 =	simm.s32 $0x80;
	s21 =	simm.s32 $0x5000  }
0x6: {  	s22 =	simm.s32 $0xB080;
	s23 =	simm.s32 $0x2;
	s6 =	sand.u32 $0x1, s0  }
0x7: {  	s24 =	simm.s32 $0x0;
	s0 =	stileid.u32;
	s7 =	smul.u32 $0x50000, s6  }
0x8: {  	[smem:$0x7FF] =	sst s4;
	s16 =	sadd.s32 $0x16C00, s5;
	s8 =	smul.u32 $0x5000, s0  }
0x9: {  	s31 =	ssub.s32 $0x2, s6;
	_ =	strace $0x80000047;
	s14 =	smul.u32 $0x9E000, s6  }
0xa: {  	s11 =	sshll.u32 s0, $0xD;
	p0 =	seq.s32 s0, $0xF;
	s9 =	sshrl.u32 s31, $0x1  }
0xb: {  	s12 =	sor.u32 $0x20000, s11;
	s15 =	sor.u32 $0x40000, s11;
	s17 =	sor.u32 $0x60000, s11  }
0xc: {  	s18 =	sor.u32 $0x80000, s11;
	s7 =	sadd.s32 s8, s7;
	s8 =	ssub.s32 s31, s9  }
0xd: {  	s9 =	sadd.s32 s15, s3;
	s10 =	sadd.s32 s17, s3;
	s13 =	sadd.s32 s14, s11  }
0xe: {  	s15 =	sadd.s32 s14, s15;
	s17 =	sadd.s32 s14, s17;
	s7 =	sshrl.u32 s7, $0x3  }
0xf: {  	s6 =	smax.u32 s8, $0x1;
	s8 =	sadd.s32 s12, s3;
	s12 =	sadd.s32 s14, s12  }
0x10: {  	s13 =	sshrl.u32 s13, $0x3;
	s14 =	sadd.s32 s14, s18;
	s15 =	sshrl.u32 s15, $0x3  }
0x11: {  	s17 =	sshrl.u32 s17, $0x3;
	s7 =	sadd.s32 s7, s5;
	s19 =	sshrl.u32 s12, $0x3  }
0x12: {  	s12 =	sadd.s32 s16, s13;
	s5 =	sadd.s32 $0x2C00, s7;
	s7 =	sadd.s32 s11, s3  }
0x13: {  	s11 =	sadd.s32 s18, s3;
	s13 =	sadd.s32 s16, s19;
	s18 =	sshrl.u32 s14, $0x3  }
0x14: {  	s14 =	sadd.s32 s16, s15;
	s15 =	sadd.s32 s16, s17;
	s17 =	simm.s32 $0x1  }
0x15: {  	v0 =	vimm.f32 $0.0e+00;
	s19 =	simm.s32 $0x9080;
	s16 =	sadd.s32 s16, s18;
	s18 =	simm.s32 $0x5080  }
.LBB2_1:
0x16: {  	[tilespmem:s4], [sflag:$0x1] =	stream.linear.gather [hbm4b:s5+s4], $0x5000, $0x38;
	[tilespmem:$0x16F00] =	vst v63  }
0x17: {  	_ =	swait.ge [sflag:s17], $0x5000  }
0x18: {  	[sflag:s17] =	ssyncset.done $0x0  }
0x19: {  	[sflag:s17] =	ssyncadd.s32 $0xFFFFB000  }
0x1a: {  	[tilespmem:s18], [sflag:$0x1] =	stream.linear.gather [hbm4b:s2+s4], $0x4000, $0x38;
	[tilespmem:$0x16F00] =	vst v63  }
0x1b: {  	_ =	swait.ge [sflag:s17], $0x4000  }
0x1c: {  	[sflag:s17] =	ssyncset.done $0x0  }
0x1d: {  	s25 =	simm.s32 $0x0;
	s26 =	simm.s32 $0x200;
	[sflag:s17] =	ssyncadd.s32 $0xFFFFC000  }
.LBB2_2:
0x1e: {  	p1 =	sne.s32 s26, $0x7E00;
	[tilespmem:s25+$0x90F0] =	vst v0  }
0x1f: {  	[tilespmem:s25+$0x9080] =	vst v0  }
0x20: {  	[tilespmem:s25+$0x9090] =	vst v0  }
.Ltmp0:
0x21: {  	[tilespmem:s25+$0x90A0] =	vst v0;
	(pc) =	sbr.rel @p1 .LBB2_2-.Ltmp0, $4  }
0x22: {  	[tilespmem:s25+$0x90B0] =	vst v0  }
0x23: {  	[tilespmem:s25+$0x90C0] =	vst v0  }
0x24: {  	[tilespmem:s25+$0x90D0] =	vst v0  }
0x25: {  	[tilespmem:s25+$0x90E0] =	vst v0;
	s25 =	sshra.s32 s26, $0x2;
	s26 =	sadd.s32 $0x200, s26  }
0x26: {  	[tilespmem:s25+$0x90F0] =	vst v0  }
0x27: {  	[tilespmem:s25+$0x9080] =	vst v0  }
0x28: {  	[tilespmem:s25+$0x9090] =	vst v0  }
0x29: {  	[tilespmem:s25+$0x90A0] =	vst v0  }
0x2a: {  	[tilespmem:s25+$0x90B0] =	vst v0  }
0x2b: {  	[tilespmem:s25+$0x90C0] =	vst v0  }
0x2c: {  	[tilespmem:s25+$0x90D0] =	vst v0  }
0x2d: {  	[tilespmem:s25+$0x90E0] =	vst v0  }
0x2e: {  	[spmem:s7] =	stream.linear.scatter [tilespmem:s19], [sflag:$0x1], $0x2000, $0x38;
	[tilespmem:$0x16F00] =	vst v63  }
0x2f: {  	_ =	swait.ge [sflag:s17], $0x2000  }
0x30: {  	[sflag:s17] =	ssyncset.done $0x0  }
0x31: {  	[sflag:s17] =	ssyncadd.s32 $0xFFFFE000  }
0x32: {  	[spmem:s8] =	stream.linear.scatter [tilespmem:s19], [sflag:$0x1], $0x2000, $0x38;
	[tilespmem:$0x16F00] =	vst v63  }
0x33: {  	_ =	swait.ge [sflag:s17], $0x2000  }
0x34: {  	[sflag:s17] =	ssyncset.done $0x0  }
0x35: {  	[sflag:s17] =	ssyncadd.s32 $0xFFFFE000  }
0x36: {  	[spmem:s9] =	stream.linear.scatter [tilespmem:s19], [sflag:$0x1], $0x2000, $0x38;
	[tilespmem:$0x16F00] =	vst v63  }
0x37: {  	_ =	swait.ge [sflag:s17], $0x2000  }
0x38: {  	[sflag:s17] =	ssyncset.done $0x0  }
0x39: {  	[sflag:s17] =	ssyncadd.s32 $0xFFFFE000  }
0x3a: {  	[spmem:s10] =	stream.linear.scatter [tilespmem:s19], [sflag:$0x1], $0x2000, $0x38;
	[tilespmem:$0x16F00] =	vst v63  }
0x3b: {  	_ =	swait.ge [sflag:s17], $0x2000  }
0x3c: {  	[sflag:s17] =	ssyncset.done $0x0  }
0x3d: {  	s25 =	simm.s32 @!p0 $0x9080;
	[sflag:s17] =	ssyncadd.s32 $0xFFFFE000  }
0x3e: {  	[spmem:s11] =	stream.linear.scatter @!p0 [tilespmem:s25], [sflag:$0x1], $0x2000, $0x38;
	[tilespmem:$0x16F00] =	vst v63  }
0x3f: {  	s25 =	simm.s32 @!p0 $0x1  }
0x40: {  	_ =	swait.ge @!p0 [sflag:s25], $0x2000  }
0x41: {  	[sflag:s25] =	ssyncset.done @!p0 $0x0  }
0x42: {  	[sflag:s25] =	ssyncadd.s32 @!p0 $0xFFFFE000  }
0x43: {  	s31 =	simm.s32 $0x0;
	[bflag:$0x0] =	sbarrier.arrive $0xFFFF  }
0x44: {  	v1 =	vld [tilespmem:s31+$0x0];
	_ =	sdelay $0x4  }
0x45: {  	[tilespmem:$0x5000] =	vst v1  }
0x46: {  	v1 =	vld [tilespmem:s31+$0x10];
	_ =	sdelay $0x4  }
0x47: {  	[tilespmem:$0x5010] =	vst v1  }
0x48: {  	v1 =	vld [tilespmem:s31+$0x20];
	_ =	sdelay $0x4  }
0x49: {  	[tilespmem:$0x5020] =	vst v1  }
0x4a: {  	v1 =	vld [tilespmem:s31+$0x30];
	_ =	sdelay $0x4  }
0x4b: {  	[tilespmem:$0x5030] =	vst v1  }
0x4c: {  	v1 =	vld [tilespmem:s31+$0x40];
	_ =	sdelay $0x4  }
0x4d: {  	[tilespmem:$0x5040] =	vst v1  }
0x4e: {  	v1 =	vld [tilespmem:s31+$0x50];
	_ =	sdelay $0x4  }
0x4f: {  	[tilespmem:$0x5050] =	vst v1  }
0x50: {  	v1 =	vld [tilespmem:s31+$0x60];
	_ =	sdelay $0x4  }
0x51: {  	[tilespmem:$0x5060] =	vst v1  }
0x52: {  	v1 =	vld [tilespmem:s31+$0x70];
	_ =	sdelay $0x4  }
0x53: {  	[tilespmem:$0x5070] =	vst v1  }
0x54: {  	[spmem:s3] =	stream.indirect.scatter.add.f32 [tilespmem:s18], [sflag:$0x1], $0x80, s21, s20, $0xb8;
	[tilespmem:$0x16F00] =	vst v63  }
0x55: {  	_ =	swait.ge [sflag:s17], $0x4000  }
0x56: {  	s28 =	simm.s32 $0x400;
	s25 =	simm.s32 $0x200;
	[sflag:s17] =	ssyncset.done $0x0  }
.LBB2_4:
0x57: {  	s29 =	sshra.s32 s25, $0x2  }
0x58: {  	[sflag:s17] =	ssyncadd.s32 $0xFFFFC000;
	s25 =	smov.u32 s28;
	s26 =	sadd.s32 $0x200, s28  }
0x59: {  	p1 =	sne.s32 s28, $0x13E00;
	v1 =	vld [tilespmem:s29+$0x0];
	_ =	sdelay $0x4  }
0x5a: {  	[tilespmem:$0x5000] =	vst v1  }
0x5b: {  	v1 =	vld [tilespmem:s29+$0x10];
	_ =	sdelay $0x4  }
0x5c: {  	[tilespmem:$0x5010] =	vst v1  }
0x5d: {  	v1 =	vld [tilespmem:s29+$0x20];
	_ =	sdelay $0x4  }
0x5e: {  	[tilespmem:$0x5020] =	vst v1  }
0x5f: {  	v1 =	vld [tilespmem:s29+$0x30];
	_ =	sdelay $0x4  }
0x60: {  	[tilespmem:$0x5030] =	vst v1  }
0x61: {  	v1 =	vld [tilespmem:s29+$0x40];
	_ =	sdelay $0x4  }
0x62: {  	[tilespmem:$0x5040] =	vst v1  }
0x63: {  	v1 =	vld [tilespmem:s29+$0x50];
	_ =	sdelay $0x4  }
0x64: {  	[tilespmem:$0x5050] =	vst v1  }
0x65: {  	v1 =	vld [tilespmem:s29+$0x60];
	_ =	sdelay $0x4  }
0x66: {  	[tilespmem:$0x5060] =	vst v1  }
0x67: {  	v1 =	vld [tilespmem:s29+$0x70];
	_ =	sdelay $0x3  }
.Ltmp1:
0x68: {  	(pc) =	sbr.rel @p1 .LBB2_4-.Ltmp1, $4  }
0x69: {  	[tilespmem:$0x5070] =	vst v1  }
0x6a: {  	[spmem:s3] =	stream.indirect.scatter.add.f32 [tilespmem:s18], [sflag:$0x1], $0x80, s21, s20, $0xb8;
	[tilespmem:$0x16F00] =	vst v63  }
0x6b: {  	_ =	swait.ge [sflag:s17], $0x4000  }
0x6c: {  	s28 =	smov.u32 s26;
	[sflag:s17] =	ssyncset.done $0x0  }
0x6d: {  	s25 =	sshra.s32 s25, $0x2;
	[sflag:s17] =	ssyncadd.s32 $0xFFFFC000  }
0x6e: {  	v1 =	vld [tilespmem:s25+$0x0];
	_ =	sdelay $0x4  }
0x6f: {  	[tilespmem:$0x5000] =	vst v1  }
0x70: {  	v1 =	vld [tilespmem:s25+$0x10];
	_ =	sdelay $0x4  }
0x71: {  	[tilespmem:$0x5010] =	vst v1  }
0x72: {  	v1 =	vld [tilespmem:s25+$0x20];
	_ =	sdelay $0x4  }
0x73: {  	[tilespmem:$0x5020] =	vst v1  }
0x74: {  	v1 =	vld [tilespmem:s25+$0x30];
	_ =	sdelay $0x4  }
0x75: {  	[tilespmem:$0x5030] =	vst v1  }
0x76: {  	v1 =	vld [tilespmem:s25+$0x40];
	_ =	sdelay $0x4  }
0x77: {  	[tilespmem:$0x5040] =	vst v1  }
0x78: {  	v1 =	vld [tilespmem:s25+$0x50];
	_ =	sdelay $0x4  }
0x79: {  	[tilespmem:$0x5050] =	vst v1  }
0x7a: {  	v1 =	vld [tilespmem:s25+$0x60];
	_ =	sdelay $0x4  }
0x7b: {  	[tilespmem:$0x5060] =	vst v1  }
0x7c: {  	v1 =	vld [tilespmem:s25+$0x70];
	_ =	sdelay $0x4  }
0x7d: {  	[tilespmem:$0x5070] =	vst v1  }
0x7e: {  	[spmem:s3] =	stream.indirect.scatter.add.f32 [tilespmem:s18], [sflag:$0x1], $0x80, s21, s20, $0xb8;
	[tilespmem:$0x16F00] =	vst v63  }
0x7f: {  	_ =	swait.ge [sflag:s17], $0x4000  }
0x80: {  	[sflag:s17] =	ssyncset.done $0x0  }
0x81: {  	[sflag:s17] =	ssyncadd.s32 $0xFFFFC000  }
0x82: {  	[bflag:$0x0] =	sbarrier.arrive $0xFFFF  }
0x83: {  	[tilespmem:s22], [sflag:$0x2] =	stream.linear.gather [spmem:s7], $0x2000, $0x38;
	[tilespmem:$0x16F00] =	vst v63  }
0x84: {  	_ =	swait.ge [sflag:s23], $0x2000  }
0x85: {  	[sflag:s23] =	ssyncset.done $0x0  }
0x86: {  	[sflag:s23] =	ssyncadd.s32 $0xFFFFE000  }
0x87: {  	[hbm4b:s12+s4] =	stream.linear.scatter [tilespmem:s22], [sflag:$0x1], $0x2000, $0x38;
	[tilespmem:$0x16F00] =	vst v63  }
0x88: {  	_ =	swait.ge [sflag:s17], $0x2000  }
0x89: {  	[sflag:s17] =	ssyncset.done $0x0  }
0x8a: {  	[sflag:s17] =	ssyncadd.s32 $0xFFFFE000  }
0x8b: {  	[tilespmem:s22], [sflag:$0x2] =	stream.linear.gather [spmem:s8], $0x2000, $0x38;
	[tilespmem:$0x16F00] =	vst v63  }
0x8c: {  	_ =	swait.ge [sflag:s23], $0x2000  }
0x8d: {  	[sflag:s23] =	ssyncset.done $0x0  }
0x8e: {  	[sflag:s23] =	ssyncadd.s32 $0xFFFFE000  }
0x8f: {  	[hbm4b:s13+s4] =	stream.linear.scatter [tilespmem:s22], [sflag:$0x1], $0x2000, $0x38;
	[tilespmem:$0x16F00] =	vst v63  }
0x90: {  	_ =	swait.ge [sflag:s17], $0x2000  }
0x91: {  	[sflag:s17] =	ssyncset.done $0x0  }
0x92: {  	[sflag:s17] =	ssyncadd.s32 $0xFFFFE000  }
0x93: {  	[tilespmem:s22], [sflag:$0x2] =	stream.linear.gather [spmem:s9], $0x2000, $0x38;
	[tilespmem:$0x16F00] =	vst v63  }
0x94: {  	_ =	swait.ge [sflag:s23], $0x2000  }
0x95: {  	[sflag:s23] =	ssyncset.done $0x0  }
0x96: {  	[sflag:s23] =	ssyncadd.s32 $0xFFFFE000  }
0x97: {  	[hbm4b:s14+s4] =	stream.linear.scatter [tilespmem:s22], [sflag:$0x1], $0x2000, $0x38;
	[tilespmem:$0x16F00] =	vst v63  }
0x98: {  	_ =	swait.ge [sflag:s17], $0x2000  }
0x99: {  	[sflag:s17] =	ssyncset.done $0x0  }
0x9a: {  	[sflag:s17] =	ssyncadd.s32 $0xFFFFE000  }
0x9b: {  	[tilespmem:s22], [sflag:$0x2] =	stream.linear.gather [spmem:s10], $0x2000, $0x38;
	[tilespmem:$0x16F00] =	vst v63  }
0x9c: {  	_ =	swait.ge [sflag:s23], $0x2000  }
0x9d: {  	[sflag:s23] =	ssyncset.done $0x0  }
0x9e: {  	[sflag:s23] =	ssyncadd.s32 $0xFFFFE000  }
0x9f: {  	[hbm4b:s15+s4] =	stream.linear.scatter [tilespmem:s22], [sflag:$0x1], $0x2000, $0x38;
	[tilespmem:$0x16F00] =	vst v63  }
0xa0: {  	_ =	swait.ge [sflag:s17], $0x2000  }
0xa1: {  	[sflag:s17] =	ssyncset.done $0x0  }
0xa2: {  	s26 =	simm.s32 @!p0 $0x2;
	s25 =	simm.s32 @!p0 $0xB080;
	[sflag:s17] =	ssyncadd.s32 $0xFFFFE000  }
0xa3: {  	[tilespmem:s25], [sflag:$0x2] =	stream.linear.gather @!p0 [spmem:s11], $0x2000, $0x38;
	[tilespmem:$0x16F00] =	vst v63  }
0xa4: {  	_ =	swait.ge @!p0 [sflag:s26], $0x2000  }
0xa5: {  	s24 =	sadd.s32 $0x1, s24;
	[sflag:s26] =	ssyncset.done @!p0 $0x0  }
0xa6: {  	p1 =	sne.s32 s24, s6;
	[sflag:s26] =	ssyncadd.s32 @!p0 $0xFFFFE000;
	s26 =	simm.s32 @!p0 $0x0  }
0xa7: {  	[hbm4b:s16+s26] =	stream.linear.scatter @!p0 [tilespmem:s25], [sflag:$0x1], $0x2000, $0x38;
	[tilespmem:$0x16F00] =	vst v63  }
.Ltmp2:
0xa8: {  	_ = 	snop;
	(pc) =	sbr.rel @p1 .LBB2_1-.Ltmp2, $4  }
0xa9: {  	s25 =	simm.s32 @!p0 $0x1  }
0xaa: {  	_ =	swait.ge @!p0 [sflag:s25], $0x2000  }
0xab: {  	[sflag:s25] =	ssyncset.done @!p0 $0x0  }
0xac: {  	[sflag:s25] =	ssyncadd.s32 @!p0 $0xFFFFE000  }
0xad: {  	_ =	sfence.sel $0x180000  }
0xae: {  	[bflag:$0x0] =	sbarrier.arrive $0xFFFF  }
0xaf: {  	p0 =	sne.s32 s0, $0x0;
	_ =	strace $0x90000047  }
0xb0: {  	s0 =	sadd.s32 @!p0 $0x100000, s1;
	[bflag:$0x2] =	sbarrier.arrive $0xFFFF  }
0xb1: {  	[sflag:s0] =	ssyncadd.tile.s32 @!p0 $0x1;
	_ =	shalt  }
.Lfunc_end2:
_tile_overlayer_lowered:
.L_overlay_start_2:
0xb2: {  	(tag) =	ssettag $0x2  }
0xb3: {  	s0 =	rddreg [dreg:$0x0];
	s2 =	stileid.u32  }
0xb4: {  	s1 =	rddreg [dreg:$0x1];
	p0 =	sne.s32 s2, $0x0  }
0xb5: {  	s3 =	rddreg [dreg:$0x2];
	[bflag:$0x3] =	sbarrier.arrive $0xFFFF;
	s2 =	simm.s32 @!p0 $0x1C01  }
0xb6: {  	[timem:s3], [sflag:s2] =	dma.local @!p0 [hbm:s0], s1  }
0xb7: {  	s0 =	simm.s32 @!p0 $0x1  }
0xb8: {  	_ =	swait.ge @!p0 [sflag:s0], s1  }
0xb9: {  	s1 =	ssub.s32 @!p0 $0x0, s1;
	[sflag:s0] =	ssyncset.done @!p0 $0x0  }
0xba: {  	[sflag:s0] =	ssyncadd.s32 @!p0 s1  }
0xbb: {  	[bflag:$0x3] =	sbarrier.arrive $0xFFFF  }
0xbc: {  	_ =	shalt  }

</sc_bundles>
